<compile_context>
chip_gen: v7x
topology: tpu7x:2x2x1
jax: 0.10.2.dev20260603
libtpu: 0.0.44.dev20260713+nightly
codegen_flags: <defaults>
</compile_context>

<pallas_src>
import functools

import jax
import jax.numpy as jnp
from jax import lax
from jax.experimental import pallas as pl
from jax.experimental.pallas import tpu as pltpu
from jax.experimental.pallas import tpu_sc as plsc

_EMB = 64
_OUT = 2
_B = 4096
_L = 200
_NC = 2
_NS = 16
_NW = _NC * _NS
_SPW = _B // _NW
_G0 = 128
_G1 = _L - _G0
_LP = 256


def _pool_linear_body(text_hbm, table_hbm, w_hbm, b_hbm, out_hbm,
                      idx_v, rows_v, w_v, b_v, out_v, sem0, sem1):
    c = lax.axis_index("c")
    s = lax.axis_index("s")
    wid = s * _NC + c
    base = wid * _SPW
    pltpu.sync_copy(text_hbm.at[pl.ds(base, _SPW)], idx_v)
    pltpu.sync_copy(w_hbm, w_v)
    pltpu.sync_copy(b_hbm, b_v)

    w_rows = [[w_v[o, pl.ds(16 * k, 16)] for k in range(4)]
              for o in range(_OUT)]
    b_vec = b_v[...]
    lanes = lax.iota(jnp.int32, 16)
    sems = (sem0, sem1)
    inv_l = jnp.float32(1.0 / _L)

    def lane_sum(t):
        for sh in (8, 4, 2, 1):
            t = t + t.at[jnp.bitwise_xor(lanes, sh)].get(
                mode="promise_in_bounds")
        return t

    def fire(seq, buf):
        pltpu.make_async_copy(
            table_hbm.at[idx_v.at[seq, pl.ds(0, _G0)]],
            rows_v.at[buf, pl.ds(0, _G0)], sems[buf]).start()
        pltpu.make_async_copy(
            table_hbm.at[idx_v.at[seq, pl.ds(_G0, _G1)]],
            rows_v.at[buf, pl.ds(_G0, _G1)], sems[buf]).start()

    def process(seq, buf):
        pltpu.make_async_copy(
            table_hbm.at[pl.ds(0, _L)], rows_v.at[buf], sems[buf]).wait()

        def body(l, accs):
            return tuple(a + rows_v[buf, l, pl.ds(16 * k, 16)]
                         for k, a in enumerate(accs))

        accs = lax.fori_loop(
            0, _L, body,
            tuple(jnp.zeros((16,), jnp.float32) for _ in range(4)),
            unroll=10)
        outs = []
        for o in range(_OUT):
            t = accs[0] * w_rows[o][0]
            for k in range(1, 4):
                t = t + accs[k] * w_rows[o][k]
            outs.append(lane_sum(t))
        ov = jnp.where(lanes == 0, outs[0], outs[1]) * inv_l + b_vec
        out_v[seq] = ov

    fire(0, 0)

    def outer(i, carry):
        s0 = 2 * i
        fire(s0 + 1, 1)
        process(s0, 0)

        @pl.when(s0 + 2 < _SPW)
        def _():
            fire(s0 + 2, 0)

        process(s0 + 1, 1)
        return carry

    lax.fori_loop(0, _SPW // 2, outer, 0)
    pltpu.sync_copy(out_v, out_hbm.at[pl.ds(base, _SPW)])


_pool_linear = functools.partial(
    pl.kernel,
    mesh=plsc.VectorSubcoreMesh(core_axis_name="c", subcore_axis_name="s"),
    out_type=jax.ShapeDtypeStruct((_B, 16), jnp.float32),
    compiler_params=pltpu.CompilerParams(use_tc_tiling_on_sc=False),
    scratch_types=[
        pltpu.VMEM((_SPW, _LP), jnp.int32),
        pltpu.VMEM((2, _L, _EMB), jnp.float32),
        pltpu.VMEM((_OUT, _EMB), jnp.float32),
        pltpu.VMEM((16,), jnp.float32),
        pltpu.VMEM((_SPW, 16), jnp.float32),
        pltpu.SemaphoreType.DMA,
        pltpu.SemaphoreType.DMA,
    ],
)(_pool_linear_body)


def kernel(text, emb_table, W, b):
    b16 = jnp.concatenate(
        [b.astype(jnp.float32), jnp.zeros((16 - _OUT,), jnp.float32)])
    text_p = jnp.pad(text.astype(jnp.int32), ((0, 0), (0, _LP - _L)))
    return _pool_linear(text_p, emb_table, W, b16)[:, :_OUT]

# --- scband reference (transcript-rebuilt; emitter-appended) ---
"""Pipeline reference for scband-feed-forward-net-7387343749453 (READ-ONLY COPY).

The authoritative reference and input builder live on the scoring server;
editing this copy changes nothing except your own understanding.
"""

import jax, jax.numpy as jnp
import numpy as np

VOCAB = 1000000
EMB = 64
OUT = 2
B = 4096
L = 200
PAD_IDX = 1


def setup_inputs(seed: int = 0) -> dict:
    key = jax.random.key(seed)
    k1, k2, k3, k4 = jax.random.split(key, 4)
    text = jax.random.randint(k1, (B, L), 0, VOCAB, dtype=jnp.int64)
    emb_table = jax.random.normal(k2, (VOCAB, EMB), dtype=jnp.float32) * 0.02
    # padding_idx row is initialized to zero in nn.Embedding
    emb_table = emb_table.at[PAD_IDX].set(0.0)
    W = jax.random.normal(k3, (OUT, EMB), dtype=jnp.float32) * (1.0 / np.sqrt(EMB))
    b = jax.random.normal(k4, (OUT,), dtype=jnp.float32) * 0.01
    return {"text": text, "emb_table": emb_table, "W": W, "b": b}


def reference(text, emb_table, W, b):
    # nn.Embedding with padding_idx: that row is forced to zero
    table = emb_table.at[PAD_IDX].set(0.0)
    embedded = jnp.take(table, text, axis=0)          # [B, L, EMB] gather
    pooled = embedded.mean(axis=1)                    # [B, EMB]
    return pooled @ W.T + b                           # [B, OUT]

if __name__ == "__main__":
    import jax
    _d = setup_inputs()
    print(jax.jit(kernel)(*tuple(_d.values())))

</pallas_src>

<mosaic_0001>
#map = affine_map<(d0, d1) -> (0, 0)>
#map1 = affine_map<(d0, d1) -> (0)>
module attributes {stable_mosaic.version = 14 : i64} {
  func.func @_pool_linear_body(%arg0: i32, %arg1: i32, %arg2: memref<4096x256xi32, #tpu.memory_space<hbm>>, %arg3: memref<1000000x64xf32, #tpu.memory_space<hbm>>, %arg4: memref<2x64xf32, #tpu.memory_space<hbm>>, %arg5: memref<16xf32, #tpu.memory_space<hbm>>, %arg6: memref<4096x16xf32, #tpu.memory_space<hbm>>, %arg7: memref<128x256xi32, #tpu.memory_space<vmem>>, %arg8: memref<2x200x64xf32, #tpu.memory_space<vmem>>, %arg9: memref<2x64xf32, #tpu.memory_space<vmem>>, %arg10: memref<16xf32, #tpu.memory_space<vmem>>, %arg11: memref<128x16xf32, #tpu.memory_space<vmem>>, %arg12: memref<!tpu.dma_semaphore, #tpu.memory_space<semaphore_mem>>, %arg13: memref<!tpu.dma_semaphore, #tpu.memory_space<semaphore_mem>>) attributes {dimension_semantics = [#tpu.dimension_semantics<core_parallel>, #tpu.dimension_semantics<subcore_parallel>], iteration_bounds = array<i64: 2, 16>, scalar_prefetch = 0 : i64, scratch_operands = 7 : i64, tpu.core_type = #tpu.core_type<sc_vector_subcore>, window_params = [{transform_indices = #map}, {transform_indices = #map}, {transform_indices = #map}, {transform_indices = #map1}, {transform_indices = #map}]} {
    %mul3A = arith.constant 2 : i32
    %mul3A_0 = arith.muli %arg1, %mul3A : i32
    %add3A = arith.addi %mul3A_0, %arg0 : i32
    %mul3A_1 = arith.constant 128 : i32
    %mul3A_2 = arith.muli %add3A, %mul3A_1 : i32
    "tpu.region"() ({
      %run_scoped3A = tpu.sem_alloc : memref<!tpu.dma_semaphore, #tpu.memory_space<semaphore_mem>>
      %dma_start3A_74 = arith.constant 0 : i32
      %dma_start3A_75 = tpu.memref_slice %arg2[%mul3A_2, %dma_start3A_74] : memref<4096x256xi32, #tpu.memory_space<hbm>> -> memref<128x256xi32, #tpu.memory_space<hbm>>
      %dma_start3A_76 = arith.constant 0 : i32
      %dma_start3A_77 = tpu.memref_slice %arg2[%mul3A_2, %dma_start3A_76] : memref<4096x256xi32, #tpu.memory_space<hbm>> -> memref<128x256xi32, #tpu.memory_space<hbm>>
      tpu.enqueue_dma source(%dma_start3A_77 : memref<128x256xi32, #tpu.memory_space<hbm>>) target(%arg7 : memref<128x256xi32, #tpu.memory_space<vmem>>) target_semaphore(%run_scoped3A : memref<!tpu.dma_semaphore, #tpu.memory_space<semaphore_mem>>)
      %dma_wait3A = arith.constant 0 : i32
      %dma_wait3A_78 = tpu.memref_slice %arg2[%mul3A_2, %dma_wait3A] : memref<4096x256xi32, #tpu.memory_space<hbm>> -> memref<128x256xi32, #tpu.memory_space<hbm>>
      %dma_wait3A_79 = arith.constant 0 : i32
      %dma_wait3A_80 = tpu.memref_slice %arg2[%mul3A_2, %dma_wait3A_79] : memref<4096x256xi32, #tpu.memory_space<hbm>> -> memref<128x256xi32, #tpu.memory_space<hbm>>
      tpu.wait_dma2 semaphore(%run_scoped3A : memref<!tpu.dma_semaphore, #tpu.memory_space<semaphore_mem>>) src(%dma_wait3A_80 : memref<128x256xi32, #tpu.memory_space<hbm>>) dst(%arg7 : memref<128x256xi32, #tpu.memory_space<vmem>>)
      tpu.yield
    }) : () -> ()
    "tpu.region"() ({
      %run_scoped3A = tpu.sem_alloc : memref<!tpu.dma_semaphore, #tpu.memory_space<semaphore_mem>>
      tpu.enqueue_dma source(%arg4 : memref<2x64xf32, #tpu.memory_space<hbm>>) target(%arg9 : memref<2x64xf32, #tpu.memory_space<vmem>>) target_semaphore(%run_scoped3A : memref<!tpu.dma_semaphore, #tpu.memory_space<semaphore_mem>>)
      tpu.wait_dma2 semaphore(%run_scoped3A : memref<!tpu.dma_semaphore, #tpu.memory_space<semaphore_mem>>) src(%arg4 : memref<2x64xf32, #tpu.memory_space<hbm>>) dst(%arg9 : memref<2x64xf32, #tpu.memory_space<vmem>>)
      tpu.yield
    }) : () -> ()
    "tpu.region"() ({
      %run_scoped3A = tpu.sem_alloc : memref<!tpu.dma_semaphore, #tpu.memory_space<semaphore_mem>>
      tpu.enqueue_dma source(%arg5 : memref<16xf32, #tpu.memory_space<hbm>>) target(%arg10 : memref<16xf32, #tpu.memory_space<vmem>>) target_semaphore(%run_scoped3A : memref<!tpu.dma_semaphore, #tpu.memory_space<semaphore_mem>>)
      tpu.wait_dma2 semaphore(%run_scoped3A : memref<!tpu.dma_semaphore, #tpu.memory_space<semaphore_mem>>) src(%arg5 : memref<16xf32, #tpu.memory_space<hbm>>) dst(%arg10 : memref<16xf32, #tpu.memory_space<vmem>>)
      tpu.yield
    }) : () -> ()
    %get3A = arith.constant 0 : i32
    %get3A_3 = arith.index_cast %get3A : i32 to index
    %get3A_4 = arith.constant 0 : index
    %get3A_5 = tpu.vector_load %arg9[%get3A_3, %get3A_4] {strides = array<i32>} : memref<2x64xf32, #tpu.memory_space<vmem>>, vector<1x16xf32>,
    %get3A_6 = vector.shape_cast %get3A_5 : vector<1x16xf32> to vector<16xf32>
    %get3A_7 = arith.constant 0 : i32
    %get3A_8 = arith.index_cast %get3A_7 : i32 to index
    %get3A_9 = arith.constant 16 : index
    %get3A_10 = tpu.vector_load %arg9[%get3A_8, %get3A_9] {strides = array<i32>} : memref<2x64xf32, #tpu.memory_space<vmem>>, vector<1x16xf32>,
    %get3A_11 = vector.shape_cast %get3A_10 : vector<1x16xf32> to vector<16xf32>
    %get3A_12 = arith.constant 0 : i32
    %get3A_13 = arith.index_cast %get3A_12 : i32 to index
    %get3A_14 = arith.constant 32 : index
    %get3A_15 = tpu.vector_load %arg9[%get3A_13, %get3A_14] {strides = array<i32>} : memref<2x64xf32, #tpu.memory_space<vmem>>, vector<1x16xf32>,
    %get3A_16 = vector.shape_cast %get3A_15 : vector<1x16xf32> to vector<16xf32>
    %get3A_17 = arith.constant 0 : i32
    %get3A_18 = arith.index_cast %get3A_17 : i32 to index
    %get3A_19 = arith.constant 48 : index
    %get3A_20 = tpu.vector_load %arg9[%get3A_18, %get3A_19] {strides = array<i32>} : memref<2x64xf32, #tpu.memory_space<vmem>>, vector<1x16xf32>,
    %get3A_21 = vector.shape_cast %get3A_20 : vector<1x16xf32> to vector<16xf32>
    %get3A_22 = arith.constant 1 : i32
    %get3A_23 = arith.index_cast %get3A_22 : i32 to index
    %get3A_24 = arith.constant 0 : index
    %get3A_25 = tpu.vector_load %arg9[%get3A_23, %get3A_24] {strides = array<i32>} : memref<2x64xf32, #tpu.memory_space<vmem>>, vector<1x16xf32>,
    %get3A_26 = vector.shape_cast %get3A_25 : vector<1x16xf32> to vector<16xf32>
    %get3A_27 = arith.constant 1 : i32
    %get3A_28 = arith.index_cast %get3A_27 : i32 to index
    %get3A_29 = arith.constant 16 : index
    %get3A_30 = tpu.vector_load %arg9[%get3A_28, %get3A_29] {strides = array<i32>} : memref<2x64xf32, #tpu.memory_space<vmem>>, vector<1x16xf32>,
    %get3A_31 = vector.shape_cast %get3A_30 : vector<1x16xf32> to vector<16xf32>
    %get3A_32 = arith.constant 1 : i32
    %get3A_33 = arith.index_cast %get3A_32 : i32 to index
    %get3A_34 = arith.constant 32 : index
    %get3A_35 = tpu.vector_load %arg9[%get3A_33, %get3A_34] {strides = array<i32>} : memref<2x64xf32, #tpu.memory_space<vmem>>, vector<1x16xf32>,
    %get3A_36 = vector.shape_cast %get3A_35 : vector<1x16xf32> to vector<16xf32>
    %get3A_37 = arith.constant 1 : i32
    %get3A_38 = arith.index_cast %get3A_37 : i32 to index
    %get3A_39 = arith.constant 48 : index
    %get3A_40 = tpu.vector_load %arg9[%get3A_38, %get3A_39] {strides = array<i32>} : memref<2x64xf32, #tpu.memory_space<vmem>>, vector<1x16xf32>,
    %get3A_41 = vector.shape_cast %get3A_40 : vector<1x16xf32> to vector<16xf32>
    %get3A_42 = arith.constant 0 : index
    %get3A_43 = tpu.vector_load %arg10[%get3A_42] {strides = array<i32>} : memref<16xf32, #tpu.memory_space<vmem>>, vector<16xf32>,
    %get3A_44 = vector.shape_cast %get3A_43 : vector<16xf32> to vector<16xf32>
    %iota3A = tpu.iota {dimensions = array<i32: 0>} : vector<16xi32>
    %dma_start3A = arith.constant 0 : i32
    %dma_start3A_45 = arith.constant 0 : i32
    %dma_start3A_46 = arith.constant 0 : i32
    %dma_start3A_47 = arith.constant 0 : i32
    %dma_start3A_48 = tpu.memref_slice %arg8[%dma_start3A_45, %dma_start3A_46, %dma_start3A_47] : memref<2x200x64xf32, #tpu.memory_space<vmem>> -> memref<1x128x64xf32, #tpu.memory_space<vmem>>
    %dma_start3A_49 = tpu.memref_squeeze %dma_start3A_48 : memref<1x128x64xf32, #tpu.memory_space<vmem>> -> memref<128x64xf32, #tpu.memory_space<vmem>>
    %dma_start3A_50 = arith.constant 0 : i32
    %dma_start3A_51 = tpu.memref_slice %arg7[%dma_start3A, %dma_start3A_50] : memref<128x256xi32, #tpu.memory_space<vmem>> -> memref<1x128xi32, #tpu.memory_space<vmem>>
    %dma_start3A_52 = tpu.memref_squeeze %dma_start3A_51 : memref<1x128xi32, #tpu.memory_space<vmem>> -> memref<128xi32, #tpu.memory_space<vmem>>
    %dma_start3A_53 = arith.constant 0 : i32
    %dma_start3A_54 = arith.constant 0 : i32
    %dma_start3A_55 = tpu.memref_slice %arg3[%dma_start3A_53, %dma_start3A_54] : memref<1000000x64xf32, #tpu.memory_space<hbm>> -> memref<1000000x64xf32, #tpu.memory_space<hbm>>
    tpu.enqueue_indirect_dma source(%dma_start3A_55 : memref<1000000x64xf32, #tpu.memory_space<hbm>>) target(%dma_start3A_49 : memref<128x64xf32, #tpu.memory_space<vmem>>) offsets(%dma_start3A_52 : memref<128xi32, #tpu.memory_space<vmem>>) semaphore(%arg12 : memref<!tpu.dma_semaphore, #tpu.memory_space<semaphore_mem>>)
    %dma_start3A_56 = arith.constant 0 : i32
    %dma_start3A_57 = arith.constant 0 : i32
    %dma_start3A_58 = arith.constant 128 : i32
    %dma_start3A_59 = arith.constant 0 : i32
    %dma_start3A_60 = tpu.memref_slice %arg8[%dma_start3A_57, %dma_start3A_58, %dma_start3A_59] : memref<2x200x64xf32, #tpu.memory_space<vmem>> -> memref<1x72x64xf32, #tpu.memory_space<vmem>>
    %dma_start3A_61 = tpu.memref_squeeze %dma_start3A_60 : memref<1x72x64xf32, #tpu.memory_space<vmem>> -> memref<72x64xf32, #tpu.memory_space<vmem>>
    %dma_start3A_62 = arith.constant 128 : i32
    %dma_start3A_63 = tpu.memref_slice %arg7[%dma_start3A_56, %dma_start3A_62] : memref<128x256xi32, #tpu.memory_space<vmem>> -> memref<1x72xi32, #tpu.memory_space<vmem>>
    %dma_start3A_64 = tpu.memref_squeeze %dma_start3A_63 : memref<1x72xi32, #tpu.memory_space<vmem>> -> memref<72xi32, #tpu.memory_space<vmem>>
    %dma_start3A_65 = arith.constant 0 : i32
    %dma_start3A_66 = arith.constant 0 : i32
    %dma_start3A_67 = tpu.memref_slice %arg3[%dma_start3A_65, %dma_start3A_66] : memref<1000000x64xf32, #tpu.memory_space<hbm>> -> memref<1000000x64xf32, #tpu.memory_space<hbm>>
    tpu.enqueue_indirect_dma source(%dma_start3A_67 : memref<1000000x64xf32, #tpu.memory_space<hbm>>) target(%dma_start3A_61 : memref<72x64xf32, #tpu.memory_space<vmem>>) offsets(%dma_start3A_64 : memref<72xi32, #tpu.memory_space<vmem>>) semaphore(%arg12 : memref<!tpu.dma_semaphore, #tpu.memory_space<semaphore_mem>>)
    %scan3A = arith.constant 0 : i32
    %scan3A_68 = arith.constant 5.000000e-03 : f32
    %scan3A_69 = arith.constant 0 : i32
    %scan3A_70 = arith.constant 64 : i32
    %scan3A_71 = arith.addi %scan3A_69, %scan3A_70 : i32
    %scan3A_72 = arith.constant 1 : i32
    scf.for %scan3A_74 = %scan3A_69 to %scan3A_71 step %scan3A_72  : i32 {
      %mul3A_75 = arith.constant 2 : i32
      %mul3A_76 = arith.muli %mul3A_75, %scan3A_74 : i32
      %add3A_77 = arith.constant 1 : i32
      %add3A_78 = arith.addi %mul3A_76, %add3A_77 : i32
      %dma_start3A_79 = arith.constant 1 : i32
      %dma_start3A_80 = arith.constant 0 : i32
      %dma_start3A_81 = arith.constant 0 : i32
      %dma_start3A_82 = tpu.memref_slice %arg8[%dma_start3A_79, %dma_start3A_80, %dma_start3A_81] : memref<2x200x64xf32, #tpu.memory_space<vmem>> -> memref<1x128x64xf32, #tpu.memory_space<vmem>>
      %dma_start3A_83 = tpu.memref_squeeze %dma_start3A_82 : memref<1x128x64xf32, #tpu.memory_space<vmem>> -> memref<128x64xf32, #tpu.memory_space<vmem>>
      %dma_start3A_84 = arith.constant 0 : i32
      %dma_start3A_85 = tpu.memref_slice %arg7[%add3A_78, %dma_start3A_84] : memref<128x256xi32, #tpu.memory_space<vmem>> -> memref<1x128xi32, #tpu.memory_space<vmem>>
      %dma_start3A_86 = tpu.memref_squeeze %dma_start3A_85 : memref<1x128xi32, #tpu.memory_space<vmem>> -> memref<128xi32, #tpu.memory_space<vmem>>
      %dma_start3A_87 = arith.constant 0 : i32
      %dma_start3A_88 = arith.constant 0 : i32
      %dma_start3A_89 = tpu.memref_slice %arg3[%dma_start3A_87, %dma_start3A_88] : memref<1000000x64xf32, #tpu.memory_space<hbm>> -> memref<1000000x64xf32, #tpu.memory_space<hbm>>
      tpu.enqueue_indirect_dma source(%dma_start3A_89 : memref<1000000x64xf32, #tpu.memory_space<hbm>>) target(%dma_start3A_83 : memref<128x64xf32, #tpu.memory_space<vmem>>) offsets(%dma_start3A_86 : memref<128xi32, #tpu.memory_space<vmem>>) semaphore(%arg13 : memref<!tpu.dma_semaphore, #tpu.memory_space<semaphore_mem>>)
      %dma_start3A_90 = arith.constant 1 : i32
      %dma_start3A_91 = arith.constant 128 : i32
      %dma_start3A_92 = arith.constant 0 : i32
      %dma_start3A_93 = tpu.memref_slice %arg8[%dma_start3A_90, %dma_start3A_91, %dma_start3A_92] : memref<2x200x64xf32, #tpu.memory_space<vmem>> -> memref<1x72x64xf32, #tpu.memory_space<vmem>>
      %dma_start3A_94 = tpu.memref_squeeze %dma_start3A_93 : memref<1x72x64xf32, #tpu.memory_space<vmem>> -> memref<72x64xf32, #tpu.memory_space<vmem>>
      %dma_start3A_95 = arith.constant 128 : i32
      %dma_start3A_96 = tpu.memref_slice %arg7[%add3A_78, %dma_start3A_95] : memref<128x256xi32, #tpu.memory_space<vmem>> -> memref<1x72xi32, #tpu.memory_space<vmem>>
      %dma_start3A_97 = tpu.memref_squeeze %dma_start3A_96 : memref<1x72xi32, #tpu.memory_space<vmem>> -> memref<72xi32, #tpu.memory_space<vmem>>
      %dma_start3A_98 = arith.constant 0 : i32
      %dma_start3A_99 = arith.constant 0 : i32
      %dma_start3A_100 = tpu.memref_slice %arg3[%dma_start3A_98, %dma_start3A_99] : memref<1000000x64xf32, #tpu.memory_space<hbm>> -> memref<1000000x64xf32, #tpu.memory_space<hbm>>
      tpu.enqueue_indirect_dma source(%dma_start3A_100 : memref<1000000x64xf32, #tpu.memory_space<hbm>>) target(%dma_start3A_94 : memref<72x64xf32, #tpu.memory_space<vmem>>) offsets(%dma_start3A_97 : memref<72xi32, #tpu.memory_space<vmem>>) semaphore(%arg13 : memref<!tpu.dma_semaphore, #tpu.memory_space<semaphore_mem>>)
      %dma_wait3A = arith.constant 0 : i32
      %dma_wait3A_101 = arith.constant 0 : i32
      %dma_wait3A_102 = arith.constant 0 : i32
      %dma_wait3A_103 = tpu.memref_slice %arg8[%dma_wait3A, %dma_wait3A_101, %dma_wait3A_102] : memref<2x200x64xf32, #tpu.memory_space<vmem>> -> memref<1x200x64xf32, #tpu.memory_space<vmem>>
      %dma_wait3A_104 = tpu.memref_squeeze %dma_wait3A_103 : memref<1x200x64xf32, #tpu.memory_space<vmem>> -> memref<200x64xf32, #tpu.memory_space<vmem>>
      %dma_wait3A_105 = arith.constant 0 : i32
      %dma_wait3A_106 = arith.constant 0 : i32
      %dma_wait3A_107 = tpu.memref_slice %arg3[%dma_wait3A_105, %dma_wait3A_106] : memref<1000000x64xf32, #tpu.memory_space<hbm>> -> memref<200x64xf32, #tpu.memory_space<hbm>>
      %dma_wait3A_108 = arith.constant 0 : i32
      %dma_wait3A_109 = arith.constant 0 : i32
      %dma_wait3A_110 = tpu.memref_slice %arg8[%dma_wait3A, %dma_wait3A_108, %dma_wait3A_109] : memref<2x200x64xf32, #tpu.memory_space<vmem>> -> memref<1x200x64xf32, #tpu.memory_space<vmem>>
      %dma_wait3A_111 = tpu.memref_squeeze %dma_wait3A_110 : memref<1x200x64xf32, #tpu.memory_space<vmem>> -> memref<200x64xf32, #tpu.memory_space<vmem>>
      %dma_wait3A_112 = arith.constant 0 : i32
      %dma_wait3A_113 = arith.constant 0 : i32
      %dma_wait3A_114 = tpu.memref_slice %arg3[%dma_wait3A_112, %dma_wait3A_113] : memref<1000000x64xf32, #tpu.memory_space<hbm>> -> memref<200x64xf32, #tpu.memory_space<hbm>>
      tpu.wait_dma2 semaphore(%arg12 : memref<!tpu.dma_semaphore, #tpu.memory_space<semaphore_mem>>) src(%dma_wait3A_114 : memref<200x64xf32, #tpu.memory_space<hbm>>) dst(%dma_wait3A_111 : memref<200x64xf32, #tpu.memory_space<vmem>>)
      %broadcast_in_dim3A = arith.constant 0.000000e+00 : f32
      %broadcast_in_dim3A_115 = vector.broadcast %broadcast_in_dim3A : f32 to vector<16xf32>
      %broadcast_in_dim3A_116 = arith.constant 0.000000e+00 : f32
      %broadcast_in_dim3A_117 = vector.broadcast %broadcast_in_dim3A_116 : f32 to vector<16xf32>
      %broadcast_in_dim3A_118 = arith.constant 0.000000e+00 : f32
      %broadcast_in_dim3A_119 = vector.broadcast %broadcast_in_dim3A_118 : f32 to vector<16xf32>
      %broadcast_in_dim3A_120 = arith.constant 0.000000e+00 : f32
      %broadcast_in_dim3A_121 = vector.broadcast %broadcast_in_dim3A_120 : f32 to vector<16xf32>
      %scan3A_122 = arith.constant 0 : i32
      %scan3A_123 = arith.constant 200 : i32
      %scan3A_124 = arith.addi %scan3A_122, %scan3A_123 : i32
      %scan3A_125 = arith.constant 10 : i32
      %scan3A_126:4 = scf.for %scan3A_434 = %scan3A_122 to %scan3A_124 step %scan3A_125 iter_args(%scan3A_435 = %broadcast_in_dim3A_115, %scan3A_436 = %broadcast_in_dim3A_117, %scan3A_437 = %broadcast_in_dim3A_119, %scan3A_438 = %broadcast_in_dim3A_121) -> (vector<16xf32>, vector<16xf32>, vector<16xf32>, vector<16xf32>)  : i32 {
        %get3A_439 = arith.constant 0 : i32
        %get3A_440 = arith.index_cast %get3A_439 : i32 to index
        %get3A_441 = arith.index_cast %scan3A_434 : i32 to index
        %get3A_442 = arith.constant 0 : index
        %get3A_443 = tpu.vector_load %arg8[%get3A_440, %get3A_441, %get3A_442] {strides = array<i32>} : memref<2x200x64xf32, #tpu.memory_space<vmem>>, vector<1x1x16xf32>,
        %get3A_444 = vector.shape_cast %get3A_443 : vector<1x1x16xf32> to vector<16xf32>
        %add3A_445 = arith.addf %scan3A_435, %get3A_444 : vector<16xf32>
        %get3A_446 = arith.constant 0 : i32
        %get3A_447 = arith.index_cast %get3A_446 : i32 to index
        %get3A_448 = arith.index_cast %scan3A_434 : i32 to index
        %get3A_449 = arith.constant 16 : index
        %get3A_450 = tpu.vector_load %arg8[%get3A_447, %get3A_448, %get3A_449] {strides = array<i32>} : memref<2x200x64xf32, #tpu.memory_space<vmem>>, vector<1x1x16xf32>,
        %get3A_451 = vector.shape_cast %get3A_450 : vector<1x1x16xf32> to vector<16xf32>
        %add3A_452 = arith.addf %scan3A_436, %get3A_451 : vector<16xf32>
        %get3A_453 = arith.constant 0 : i32
        %get3A_454 = arith.index_cast %get3A_453 : i32 to index
        %get3A_455 = arith.index_cast %scan3A_434 : i32 to index
        %get3A_456 = arith.constant 32 : index
        %get3A_457 = tpu.vector_load %arg8[%get3A_454, %get3A_455, %get3A_456] {strides = array<i32>} : memref<2x200x64xf32, #tpu.memory_space<vmem>>, vector<1x1x16xf32>,
        %get3A_458 = vector.shape_cast %get3A_457 : vector<1x1x16xf32> to vector<16xf32>
        %add3A_459 = arith.addf %scan3A_437, %get3A_458 : vector<16xf32>
        %get3A_460 = arith.constant 0 : i32
        %get3A_461 = arith.index_cast %get3A_460 : i32 to index
        %get3A_462 = arith.index_cast %scan3A_434 : i32 to index
        %get3A_463 = arith.constant 48 : index
        %get3A_464 = tpu.vector_load %arg8[%get3A_461, %get3A_462, %get3A_463] {strides = array<i32>} : memref<2x200x64xf32, #tpu.memory_space<vmem>>, vector<1x1x16xf32>,
        %get3A_465 = vector.shape_cast %get3A_464 : vector<1x1x16xf32> to vector<16xf32>
        %add3A_466 = arith.addf %scan3A_438, %get3A_465 : vector<16xf32>
        %scan3A_467 = arith.constant 1 : i32
        %scan3A_468 = arith.addi %scan3A_434, %scan3A_467 : i32
        %get3A_469 = arith.constant 0 : i32
        %get3A_470 = arith.index_cast %get3A_469 : i32 to index
        %get3A_471 = arith.index_cast %scan3A_468 : i32 to index
        %get3A_472 = arith.constant 0 : index
        %get3A_473 = tpu.vector_load %arg8[%get3A_470, %get3A_471, %get3A_472] {strides = array<i32>} : memref<2x200x64xf32, #tpu.memory_space<vmem>>, vector<1x1x16xf32>,
        %get3A_474 = vector.shape_cast %get3A_473 : vector<1x1x16xf32> to vector<16xf32>
        %add3A_475 = arith.addf %add3A_445, %get3A_474 : vector<16xf32>
        %get3A_476 = arith.constant 0 : i32
        %get3A_477 = arith.index_cast %get3A_476 : i32 to index
        %get3A_478 = arith.index_cast %scan3A_468 : i32 to index
        %get3A_479 = arith.constant 16 : index
        %get3A_480 = tpu.vector_load %arg8[%get3A_477, %get3A_478, %get3A_479] {strides = array<i32>} : memref<2x200x64xf32, #tpu.memory_space<vmem>>, vector<1x1x16xf32>,
        %get3A_481 = vector.shape_cast %get3A_480 : vector<1x1x16xf32> to vector<16xf32>
        %add3A_482 = arith.addf %add3A_452, %get3A_481 : vector<16xf32>
        %get3A_483 = arith.constant 0 : i32
        %get3A_484 = arith.index_cast %get3A_483 : i32 to index
        %get3A_485 = arith.index_cast %scan3A_468 : i32 to index
        %get3A_486 = arith.constant 32 : index
        %get3A_487 = tpu.vector_load %arg8[%get3A_484, %get3A_485, %get3A_486] {strides = array<i32>} : memref<2x200x64xf32, #tpu.memory_space<vmem>>, vector<1x1x16xf32>,
        %get3A_488 = vector.shape_cast %get3A_487 : vector<1x1x16xf32> to vector<16xf32>
        %add3A_489 = arith.addf %add3A_459, %get3A_488 : vector<16xf32>
        %get3A_490 = arith.constant 0 : i32
        %get3A_491 = arith.index_cast %get3A_490 : i32 to index
        %get3A_492 = arith.index_cast %scan3A_468 : i32 to index
        %get3A_493 = arith.constant 48 : index
        %get3A_494 = tpu.vector_load %arg8[%get3A_491, %get3A_492, %get3A_493] {strides = array<i32>} : memref<2x200x64xf32, #tpu.memory_space<vmem>>, vector<1x1x16xf32>,
        %get3A_495 = vector.shape_cast %get3A_494 : vector<1x1x16xf32> to vector<16xf32>
        %add3A_496 = arith.addf %add3A_466, %get3A_495 : vector<16xf32>
        %scan3A_497 = arith.constant 2 : i32
        %scan3A_498 = arith.addi %scan3A_434, %scan3A_497 : i32
        %get3A_499 = arith.constant 0 : i32
        %get3A_500 = arith.index_cast %get3A_499 : i32 to index
        %get3A_501 = arith.index_cast %scan3A_498 : i32 to index
        %get3A_502 = arith.constant 0 : index
        %get3A_503 = tpu.vector_load %arg8[%get3A_500, %get3A_501, %get3A_502] {strides = array<i32>} : memref<2x200x64xf32, #tpu.memory_space<vmem>>, vector<1x1x16xf32>,
        %get3A_504 = vector.shape_cast %get3A_503 : vector<1x1x16xf32> to vector<16xf32>
        %add3A_505 = arith.addf %add3A_475, %get3A_504 : vector<16xf32>
        %get3A_506 = arith.constant 0 : i32
        %get3A_507 = arith.index_cast %get3A_506 : i32 to index
        %get3A_508 = arith.index_cast %scan3A_498 : i32 to index
        %get3A_509 = arith.constant 16 : index
        %get3A_510 = tpu.vector_load %arg8[%get3A_507, %get3A_508, %get3A_509] {strides = array<i32>} : memref<2x200x64xf32, #tpu.memory_space<vmem>>, vector<1x1x16xf32>,
        %get3A_511 = vector.shape_cast %get3A_510 : vector<1x1x16xf32> to vector<16xf32>
        %add3A_512 = arith.addf %add3A_482, %get3A_511 : vector<16xf32>
        %get3A_513 = arith.constant 0 : i32
        %get3A_514 = arith.index_cast %get3A_513 : i32 to index
        %get3A_515 = arith.index_cast %scan3A_498 : i32 to index
        %get3A_516 = arith.constant 32 : index
        %get3A_517 = tpu.vector_load %arg8[%get3A_514, %get3A_515, %get3A_516] {strides = array<i32>} : memref<2x200x64xf32, #tpu.memory_space<vmem>>, vector<1x1x16xf32>,
        %get3A_518 = vector.shape_cast %get3A_517 : vector<1x1x16xf32> to vector<16xf32>
        %add3A_519 = arith.addf %add3A_489, %get3A_518 : vector<16xf32>
        %get3A_520 = arith.constant 0 : i32
        %get3A_521 = arith.index_cast %get3A_520 : i32 to index
        %get3A_522 = arith.index_cast %scan3A_498 : i32 to index
        %get3A_523 = arith.constant 48 : index
        %get3A_524 = tpu.vector_load %arg8[%get3A_521, %get3A_522, %get3A_523] {strides = array<i32>} : memref<2x200x64xf32, #tpu.memory_space<vmem>>, vector<1x1x16xf32>,
        %get3A_525 = vector.shape_cast %get3A_524 : vector<1x1x16xf32> to vector<16xf32>
        %add3A_526 = arith.addf %add3A_496, %get3A_525 : vector<16xf32>
        %scan3A_527 = arith.constant 3 : i32
        %scan3A_528 = arith.addi %scan3A_434, %scan3A_527 : i32
        %get3A_529 = arith.constant 0 : i32
        %get3A_530 = arith.index_cast %get3A_529 : i32 to index
        %get3A_531 = arith.index_cast %scan3A_528 : i32 to index
        %get3A_532 = arith.constant 0 : index
        %get3A_533 = tpu.vector_load %arg8[%get3A_530, %get3A_531, %get3A_532] {strides = array<i32>} : memref<2x200x64xf32, #tpu.memory_space<vmem>>, vector<1x1x16xf32>,
        %get3A_534 = vector.shape_cast %get3A_533 : vector<1x1x16xf32> to vector<16xf32>
        %add3A_535 = arith.addf %add3A_505, %get3A_534 : vector<16xf32>
        %get3A_536 = arith.constant 0 : i32
        %get3A_537 = arith.index_cast %get3A_536 : i32 to index
        %get3A_538 = arith.index_cast %scan3A_528 : i32 to index
        %get3A_539 = arith.constant 16 : index
        %get3A_540 = tpu.vector_load %arg8[%get3A_537, %get3A_538, %get3A_539] {strides = array<i32>} : memref<2x200x64xf32, #tpu.memory_space<vmem>>, vector<1x1x16xf32>,
        %get3A_541 = vector.shape_cast %get3A_540 : vector<1x1x16xf32> to vector<16xf32>
        %add3A_542 = arith.addf %add3A_512, %get3A_541 : vector<16xf32>
        %get3A_543 = arith.constant 0 : i32
        %get3A_544 = arith.index_cast %get3A_543 : i32 to index
        %get3A_545 = arith.index_cast %scan3A_528 : i32 to index
        %get3A_546 = arith.constant 32 : index
        %get3A_547 = tpu.vector_load %arg8[%get3A_544, %get3A_545, %get3A_546] {strides = array<i32>} : memref<2x200x64xf32, #tpu.memory_space<vmem>>, vector<1x1x16xf32>,
        %get3A_548 = vector.shape_cast %get3A_547 : vector<1x1x16xf32> to vector<16xf32>
        %add3A_549 = arith.addf %add3A_519, %get3A_548 : vector<16xf32>
        %get3A_550 = arith.constant 0 : i32
        %get3A_551 = arith.index_cast %get3A_550 : i32 to index
        %get3A_552 = arith.index_cast %scan3A_528 : i32 to index
        %get3A_553 = arith.constant 48 : index
        %get3A_554 = tpu.vector_load %arg8[%get3A_551, %get3A_552, %get3A_553] {strides = array<i32>} : memref<2x200x64xf32, #tpu.memory_space<vmem>>, vector<1x1x16xf32>,
        %get3A_555 = vector.shape_cast %get3A_554 : vector<1x1x16xf32> to vector<16xf32>
        %add3A_556 = arith.addf %add3A_526, %get3A_555 : vector<16xf32>
        %scan3A_557 = arith.constant 4 : i32
        %scan3A_558 = arith.addi %scan3A_434, %scan3A_557 : i32
        %get3A_559 = arith.constant 0 : i32
        %get3A_560 = arith.index_cast %get3A_559 : i32 to index
        %get3A_561 = arith.index_cast %scan3A_558 : i32 to index
        %get3A_562 = arith.constant 0 : index
        %get3A_563 = tpu.vector_load %arg8[%get3A_560, %get3A_561, %get3A_562] {strides = array<i32>} : memref<2x200x64xf32, #tpu.memory_space<vmem>>, vector<1x1x16xf32>,
        %get3A_564 = vector.shape_cast %get3A_563 : vector<1x1x16xf32> to vector<16xf32>
        %add3A_565 = arith.addf %add3A_535, %get3A_564 : vector<16xf32>
        %get3A_566 = arith.constant 0 : i32
        %get3A_567 = arith.index_cast %get3A_566 : i32 to index
        %get3A_568 = arith.index_cast %scan3A_558 : i32 to index
        %get3A_569 = arith.constant 16 : index
        %get3A_570 = tpu.vector_load %arg8[%get3A_567, %get3A_568, %get3A_569] {strides = array<i32>} : memref<2x200x64xf32, #tpu.memory_space<vmem>>, vector<1x1x16xf32>,
        %get3A_571 = vector.shape_cast %get3A_570 : vector<1x1x16xf32> to vector<16xf32>
        %add3A_572 = arith.addf %add3A_542, %get3A_571 : vector<16xf32>
        %get3A_573 = arith.constant 0 : i32
        %get3A_574 = arith.index_cast %get3A_573 : i32 to index
        %get3A_575 = arith.index_cast %scan3A_558 : i32 to index
        %get3A_576 = arith.constant 32 : index
        %get3A_577 = tpu.vector_load %arg8[%get3A_574, %get3A_575, %get3A_576] {strides = array<i32>} : memref<2x200x64xf32, #tpu.memory_space<vmem>>, vector<1x1x16xf32>,
        %get3A_578 = vector.shape_cast %get3A_577 : vector<1x1x16xf32> to vector<16xf32>
        %add3A_579 = arith.addf %add3A_549, %get3A_578 : vector<16xf32>
        %get3A_580 = arith.constant 0 : i32
        %get3A_581 = arith.index_cast %get3A_580 : i32 to index
        %get3A_582 = arith.index_cast %scan3A_558 : i32 to index
        %get3A_583 = arith.constant 48 : index
        %get3A_584 = tpu.vector_load %arg8[%get3A_581, %get3A_582, %get3A_583] {strides = array<i32>} : memref<2x200x64xf32, #tpu.memory_space<vmem>>, vector<1x1x16xf32>,
        %get3A_585 = vector.shape_cast %get3A_584 : vector<1x1x16xf32> to vector<16xf32>
        %add3A_586 = arith.addf %add3A_556, %get3A_585 : vector<16xf32>
        %scan3A_587 = arith.constant 5 : i32
        %scan3A_588 = arith.addi %scan3A_434, %scan3A_587 : i32
        %get3A_589 = arith.constant 0 : i32
        %get3A_590 = arith.index_cast %get3A_589 : i32 to index
        %get3A_591 = arith.index_cast %scan3A_588 : i32 to index
        %get3A_592 = arith.constant 0 : index
        %get3A_593 = tpu.vector_load %arg8[%get3A_590, %get3A_591, %get3A_592] {strides = array<i32>} : memref<2x200x64xf32, #tpu.memory_space<vmem>>, vector<1x1x16xf32>,
        %get3A_594 = vector.shape_cast %get3A_593 : vector<1x1x16xf32> to vector<16xf32>
        %add3A_595 = arith.addf %add3A_565, %get3A_594 : vector<16xf32>
        %get3A_596 = arith.constant 0 : i32
        %get3A_597 = arith.index_cast %get3A_596 : i32 to index
        %get3A_598 = arith.index_cast %scan3A_588 : i32 to index
        %get3A_599 = arith.constant 16 : index
        %get3A_600 = tpu.vector_load %arg8[%get3A_597, %get3A_598, %get3A_599] {strides = array<i32>} : memref<2x200x64xf32, #tpu.memory_space<vmem>>, vector<1x1x16xf32>,
        %get3A_601 = vector.shape_cast %get3A_600 : vector<1x1x16xf32> to vector<16xf32>
        %add3A_602 = arith.addf %add3A_572, %get3A_601 : vector<16xf32>
        %get3A_603 = arith.constant 0 : i32
        %get3A_604 = arith.index_cast %get3A_603 : i32 to index
        %get3A_605 = arith.index_cast %scan3A_588 : i32 to index
        %get3A_606 = arith.constant 32 : index
        %get3A_607 = tpu.vector_load %arg8[%get3A_604, %get3A_605, %get3A_606] {strides = array<i32>} : memref<2x200x64xf32, #tpu.memory_space<vmem>>, vector<1x1x16xf32>,
        %get3A_608 = vector.shape_cast %get3A_607 : vector<1x1x16xf32> to vector<16xf32>
        %add3A_609 = arith.addf %add3A_579, %get3A_608 : vector<16xf32>
        %get3A_610 = arith.constant 0 : i32
        %get3A_611 = arith.index_cast %get3A_610 : i32 to index
        %get3A_612 = arith.index_cast %scan3A_588 : i32 to index
        %get3A_613 = arith.constant 48 : index
        %get3A_614 = tpu.vector_load %arg8[%get3A_611, %get3A_612, %get3A_613] {strides = array<i32>} : memref<2x200x64xf32, #tpu.memory_space<vmem>>, vector<1x1x16xf32>,
        %get3A_615 = vector.shape_cast %get3A_614 : vector<1x1x16xf32> to vector<16xf32>
        %add3A_616 = arith.addf %add3A_586, %get3A_615 : vector<16xf32>
        %scan3A_617 = arith.constant 6 : i32
        %scan3A_618 = arith.addi %scan3A_434, %scan3A_617 : i32
        %get3A_619 = arith.constant 0 : i32
        %get3A_620 = arith.index_cast %get3A_619 : i32 to index
        %get3A_621 = arith.index_cast %scan3A_618 : i32 to index
        %get3A_622 = arith.constant 0 : index
        %get3A_623 = tpu.vector_load %arg8[%get3A_620, %get3A_621, %get3A_622] {strides = array<i32>} : memref<2x200x64xf32, #tpu.memory_space<vmem>>, vector<1x1x16xf32>,
        %get3A_624 = vector.shape_cast %get3A_623 : vector<1x1x16xf32> to vector<16xf32>
        %add3A_625 = arith.addf %add3A_595, %get3A_624 : vector<16xf32>
        %get3A_626 = arith.constant 0 : i32
        %get3A_627 = arith.index_cast %get3A_626 : i32 to index
        %get3A_628 = arith.index_cast %scan3A_618 : i32 to index
        %get3A_629 = arith.constant 16 : index
        %get3A_630 = tpu.vector_load %arg8[%get3A_627, %get3A_628, %get3A_629] {strides = array<i32>} : memref<2x200x64xf32, #tpu.memory_space<vmem>>, vector<1x1x16xf32>,
        %get3A_631 = vector.shape_cast %get3A_630 : vector<1x1x16xf32> to vector<16xf32>
        %add3A_632 = arith.addf %add3A_602, %get3A_631 : vector<16xf32>
        %get3A_633 = arith.constant 0 : i32
        %get3A_634 = arith.index_cast %get3A_633 : i32 to index
        %get3A_635 = arith.index_cast %scan3A_618 : i32 to index
        %get3A_636 = arith.constant 32 : index
        %get3A_637 = tpu.vector_load %arg8[%get3A_634, %get3A_635, %get3A_636] {strides = array<i32>} : memref<2x200x64xf32, #tpu.memory_space<vmem>>, vector<1x1x16xf32>,
        %get3A_638 = vector.shape_cast %get3A_637 : vector<1x1x16xf32> to vector<16xf32>
        %add3A_639 = arith.addf %add3A_609, %get3A_638 : vector<16xf32>
        %get3A_640 = arith.constant 0 : i32
        %get3A_641 = arith.index_cast %get3A_640 : i32 to index
        %get3A_642 = arith.index_cast %scan3A_618 : i32 to index
        %get3A_643 = arith.constant 48 : index
        %get3A_644 = tpu.vector_load %arg8[%get3A_641, %get3A_642, %get3A_643] {strides = array<i32>} : memref<2x200x64xf32, #tpu.memory_space<vmem>>, vector<1x1x16xf32>,
        %get3A_645 = vector.shape_cast %get3A_644 : vector<1x1x16xf32> to vector<16xf32>
        %add3A_646 = arith.addf %add3A_616, %get3A_645 : vector<16xf32>
        %scan3A_647 = arith.constant 7 : i32
        %scan3A_648 = arith.addi %scan3A_434, %scan3A_647 : i32
        %get3A_649 = arith.constant 0 : i32
        %get3A_650 = arith.index_cast %get3A_649 : i32 to index
        %get3A_651 = arith.index_cast %scan3A_648 : i32 to index
        %get3A_652 = arith.constant 0 : index
        %get3A_653 = tpu.vector_load %arg8[%get3A_650, %get3A_651, %get3A_652] {strides = array<i32>} : memref<2x200x64xf32, #tpu.memory_space<vmem>>, vector<1x1x16xf32>,
        %get3A_654 = vector.shape_cast %get3A_653 : vector<1x1x16xf32> to vector<16xf32>
        %add3A_655 = arith.addf %add3A_625, %get3A_654 : vector<16xf32>
        %get3A_656 = arith.constant 0 : i32
        %get3A_657 = arith.index_cast %get3A_656 : i32 to index
        %get3A_658 = arith.index_cast %scan3A_648 : i32 to index
        %get3A_659 = arith.constant 16 : index
        %get3A_660 = tpu.vector_load %arg8[%get3A_657, %get3A_658, %get3A_659] {strides = array<i32>} : memref<2x200x64xf32, #tpu.memory_space<vmem>>, vector<1x1x16xf32>,
        %get3A_661 = vector.shape_cast %get3A_660 : vector<1x1x16xf32> to vector<16xf32>
        %add3A_662 = arith.addf %add3A_632, %get3A_661 : vector<16xf32>
        %get3A_663 = arith.constant 0 : i32
        %get3A_664 = arith.index_cast %get3A_663 : i32 to index
        %get3A_665 = arith.index_cast %scan3A_648 : i32 to index
        %get3A_666 = arith.constant 32 : index
        %get3A_667 = tpu.vector_load %arg8[%get3A_664, %get3A_665, %get3A_666] {strides = array<i32>} : memref<2x200x64xf32, #tpu.memory_space<vmem>>, vector<1x1x16xf32>,
        %get3A_668 = vector.shape_cast %get3A_667 : vector<1x1x16xf32> to vector<16xf32>
        %add3A_669 = arith.addf %add3A_639, %get3A_668 : vector<16xf32>
        %get3A_670 = arith.constant 0 : i32
        %get3A_671 = arith.index_cast %get3A_670 : i32 to index
        %get3A_672 = arith.index_cast %scan3A_648 : i32 to index
        %get3A_673 = arith.constant 48 : index
        %get3A_674 = tpu.vector_load %arg8[%get3A_671, %get3A_672, %get3A_673] {strides = array<i32>} : memref<2x200x64xf32, #tpu.memory_space<vmem>>, vector<1x1x16xf32>,
        %get3A_675 = vector.shape_cast %get3A_674 : vector<1x1x16xf32> to vector<16xf32>
        %add3A_676 = arith.addf %add3A_646, %get3A_675 : vector<16xf32>
        %scan3A_677 = arith.constant 8 : i32
        %scan3A_678 = arith.addi %scan3A_434, %scan3A_677 : i32
        %get3A_679 = arith.constant 0 : i32
        %get3A_680 = arith.index_cast %get3A_679 : i32 to index
        %get3A_681 = arith.index_cast %scan3A_678 : i32 to index
        %get3A_682 = arith.constant 0 : index
        %get3A_683 = tpu.vector_load %arg8[%get3A_680, %get3A_681, %get3A_682] {strides = array<i32>} : memref<2x200x64xf32, #tpu.memory_space<vmem>>, vector<1x1x16xf32>,
        %get3A_684 = vector.shape_cast %get3A_683 : vector<1x1x16xf32> to vector<16xf32>
        %add3A_685 = arith.addf %add3A_655, %get3A_684 : vector<16xf32>
        %get3A_686 = arith.constant 0 : i32
        %get3A_687 = arith.index_cast %get3A_686 : i32 to index
        %get3A_688 = arith.index_cast %scan3A_678 : i32 to index
        %get3A_689 = arith.constant 16 : index
        %get3A_690 = tpu.vector_load %arg8[%get3A_687, %get3A_688, %get3A_689] {strides = array<i32>} : memref<2x200x64xf32, #tpu.memory_space<vmem>>, vector<1x1x16xf32>,
        %get3A_691 = vector.shape_cast %get3A_690 : vector<1x1x16xf32> to vector<16xf32>
        %add3A_692 = arith.addf %add3A_662, %get3A_691 : vector<16xf32>
        %get3A_693 = arith.constant 0 : i32
        %get3A_694 = arith.index_cast %get3A_693 : i32 to index
        %get3A_695 = arith.index_cast %scan3A_678 : i32 to index
        %get3A_696 = arith.constant 32 : index
        %get3A_697 = tpu.vector_load %arg8[%get3A_694, %get3A_695, %get3A_696] {strides = array<i32>} : memref<2x200x64xf32, #tpu.memory_space<vmem>>, vector<1x1x16xf32>,
        %get3A_698 = vector.shape_cast %get3A_697 : vector<1x1x16xf32> to vector<16xf32>
        %add3A_699 = arith.addf %add3A_669, %get3A_698 : vector<16xf32>
        %get3A_700 = arith.constant 0 : i32
        %get3A_701 = arith.index_cast %get3A_700 : i32 to index
        %get3A_702 = arith.index_cast %scan3A_678 : i32 to index
        %get3A_703 = arith.constant 48 : index
        %get3A_704 = tpu.vector_load %arg8[%get3A_701, %get3A_702, %get3A_703] {strides = array<i32>} : memref<2x200x64xf32, #tpu.memory_space<vmem>>, vector<1x1x16xf32>,
        %get3A_705 = vector.shape_cast %get3A_704 : vector<1x1x16xf32> to vector<16xf32>
        %add3A_706 = arith.addf %add3A_676, %get3A_705 : vector<16xf32>
        %scan3A_707 = arith.constant 9 : i32
        %scan3A_708 = arith.addi %scan3A_434, %scan3A_707 : i32
        %get3A_709 = arith.constant 0 : i32
        %get3A_710 = arith.index_cast %get3A_709 : i32 to index
        %get3A_711 = arith.index_cast %scan3A_708 : i32 to index
        %get3A_712 = arith.constant 0 : index
        %get3A_713 = tpu.vector_load %arg8[%get3A_710, %get3A_711, %get3A_712] {strides = array<i32>} : memref<2x200x64xf32, #tpu.memory_space<vmem>>, vector<1x1x16xf32>,
        %get3A_714 = vector.shape_cast %get3A_713 : vector<1x1x16xf32> to vector<16xf32>
        %add3A_715 = arith.addf %add3A_685, %get3A_714 : vector<16xf32>
        %get3A_716 = arith.constant 0 : i32
        %get3A_717 = arith.index_cast %get3A_716 : i32 to index
        %get3A_718 = arith.index_cast %scan3A_708 : i32 to index
        %get3A_719 = arith.constant 16 : index
        %get3A_720 = tpu.vector_load %arg8[%get3A_717, %get3A_718, %get3A_719] {strides = array<i32>} : memref<2x200x64xf32, #tpu.memory_space<vmem>>, vector<1x1x16xf32>,
        %get3A_721 = vector.shape_cast %get3A_720 : vector<1x1x16xf32> to vector<16xf32>
        %add3A_722 = arith.addf %add3A_692, %get3A_721 : vector<16xf32>
        %get3A_723 = arith.constant 0 : i32
        %get3A_724 = arith.index_cast %get3A_723 : i32 to index
        %get3A_725 = arith.index_cast %scan3A_708 : i32 to index
        %get3A_726 = arith.constant 32 : index
        %get3A_727 = tpu.vector_load %arg8[%get3A_724, %get3A_725, %get3A_726] {strides = array<i32>} : memref<2x200x64xf32, #tpu.memory_space<vmem>>, vector<1x1x16xf32>,
        %get3A_728 = vector.shape_cast %get3A_727 : vector<1x1x16xf32> to vector<16xf32>
        %add3A_729 = arith.addf %add3A_699, %get3A_728 : vector<16xf32>
        %get3A_730 = arith.constant 0 : i32
        %get3A_731 = arith.index_cast %get3A_730 : i32 to index
        %get3A_732 = arith.index_cast %scan3A_708 : i32 to index
        %get3A_733 = arith.constant 48 : index
        %get3A_734 = tpu.vector_load %arg8[%get3A_731, %get3A_732, %get3A_733] {strides = array<i32>} : memref<2x200x64xf32, #tpu.memory_space<vmem>>, vector<1x1x16xf32>,
        %get3A_735 = vector.shape_cast %get3A_734 : vector<1x1x16xf32> to vector<16xf32>
        %add3A_736 = arith.addf %add3A_706, %get3A_735 : vector<16xf32>
        scf.yield %add3A_715, %add3A_722, %add3A_729, %add3A_736 : vector<16xf32>, vector<16xf32>, vector<16xf32>, vector<16xf32>
      }
      %scan3A_127 = arith.constant 200 : i32
      %mul3A_128 = arith.mulf %scan3A_126#0, %get3A_6 : vector<16xf32>
      %mul3A_129 = arith.mulf %scan3A_126#1, %get3A_11 : vector<16xf32>
      %add3A_130 = arith.addf %mul3A_128, %mul3A_129 : vector<16xf32>
      %mul3A_131 = arith.mulf %scan3A_126#2, %get3A_16 : vector<16xf32>
      %add3A_132 = arith.addf %add3A_130, %mul3A_131 : vector<16xf32>
      %mul3A_133 = arith.mulf %scan3A_126#3, %get3A_21 : vector<16xf32>
      %add3A_134 = arith.addf %add3A_132, %mul3A_133 : vector<16xf32>
      %xor3A = arith.constant 8 : i32
      %xor3A_135 = vector.broadcast %xor3A : i32 to vector<16xi32>
      %xor3A_136 = arith.xori %iota3A, %xor3A_135 : vector<16xi32>
      %lt3A = arith.constant 0 : i32
      %lt3A_137 = vector.broadcast %lt3A : i32 to vector<16xi32>
      %lt3A_138 = arith.cmpi slt, %xor3A_136, %lt3A_137 : vector<16xi32>
      %add3A_139 = arith.constant 16 : i32
      %add3A_140 = vector.broadcast %add3A_139 : i32 to vector<16xi32>
      %add3A_141 = arith.addi %xor3A_136, %add3A_140 : vector<16xi32>
      %select_n3A = arith.select %lt3A_138, %add3A_141, %xor3A_136 : vector<16xi1>, vector<16xi32>
      %broadcast_in_dim3A_142 = vector.shape_cast %select_n3A : vector<16xi32> to vector<16x1xi32>
      %gather3A = vector.shape_cast %broadcast_in_dim3A_142 : vector<16x1xi32> to vector<16xi32>
      %gather3A_143 = tpu.dynamic_gather %add3A_134[%gather3A] in [0] : vector<16xf32>, vector<16xi32> -> vector<16xf32>
      %add3A_144 = arith.addf %add3A_134, %gather3A_143 : vector<16xf32>
      %xor3A_145 = arith.constant 4 : i32
      %xor3A_146 = vector.broadcast %xor3A_145 : i32 to vector<16xi32>
      %xor3A_147 = arith.xori %iota3A, %xor3A_146 : vector<16xi32>
      %lt3A_148 = arith.constant 0 : i32
      %lt3A_149 = vector.broadcast %lt3A_148 : i32 to vector<16xi32>
      %lt3A_150 = arith.cmpi slt, %xor3A_147, %lt3A_149 : vector<16xi32>
      %add3A_151 = arith.constant 16 : i32
      %add3A_152 = vector.broadcast %add3A_151 : i32 to vector<16xi32>
      %add3A_153 = arith.addi %xor3A_147, %add3A_152 : vector<16xi32>
      %select_n3A_154 = arith.select %lt3A_150, %add3A_153, %xor3A_147 : vector<16xi1>, vector<16xi32>
      %broadcast_in_dim3A_155 = vector.shape_cast %select_n3A_154 : vector<16xi32> to vector<16x1xi32>
      %gather3A_156 = vector.shape_cast %broadcast_in_dim3A_155 : vector<16x1xi32> to vector<16xi32>
      %gather3A_157 = tpu.dynamic_gather %add3A_144[%gather3A_156] in [0] : vector<16xf32>, vector<16xi32> -> vector<16xf32>
      %add3A_158 = arith.addf %add3A_144, %gather3A_157 : vector<16xf32>
      %xor3A_159 = arith.constant 2 : i32
      %xor3A_160 = vector.broadcast %xor3A_159 : i32 to vector<16xi32>
      %xor3A_161 = arith.xori %iota3A, %xor3A_160 : vector<16xi32>
      %lt3A_162 = arith.constant 0 : i32
      %lt3A_163 = vector.broadcast %lt3A_162 : i32 to vector<16xi32>
      %lt3A_164 = arith.cmpi slt, %xor3A_161, %lt3A_163 : vector<16xi32>
      %add3A_165 = arith.constant 16 : i32
      %add3A_166 = vector.broadcast %add3A_165 : i32 to vector<16xi32>
      %add3A_167 = arith.addi %xor3A_161, %add3A_166 : vector<16xi32>
      %select_n3A_168 = arith.select %lt3A_164, %add3A_167, %xor3A_161 : vector<16xi1>, vector<16xi32>
      %broadcast_in_dim3A_169 = vector.shape_cast %select_n3A_168 : vector<16xi32> to vector<16x1xi32>
      %gather3A_170 = vector.shape_cast %broadcast_in_dim3A_169 : vector<16x1xi32> to vector<16xi32>
      %gather3A_171 = tpu.dynamic_gather %add3A_158[%gather3A_170] in [0] : vector<16xf32>, vector<16xi32> -> vector<16xf32>
      %add3A_172 = arith.addf %add3A_158, %gather3A_171 : vector<16xf32>
      %xor3A_173 = arith.constant 1 : i32
      %xor3A_174 = vector.broadcast %xor3A_173 : i32 to vector<16xi32>
      %xor3A_175 = arith.xori %iota3A, %xor3A_174 : vector<16xi32>
      %lt3A_176 = arith.constant 0 : i32
      %lt3A_177 = vector.broadcast %lt3A_176 : i32 to vector<16xi32>
      %lt3A_178 = arith.cmpi slt, %xor3A_175, %lt3A_177 : vector<16xi32>
      %add3A_179 = arith.constant 16 : i32
      %add3A_180 = vector.broadcast %add3A_179 : i32 to vector<16xi32>
      %add3A_181 = arith.addi %xor3A_175, %add3A_180 : vector<16xi32>
      %select_n3A_182 = arith.select %lt3A_178, %add3A_181, %xor3A_175 : vector<16xi1>, vector<16xi32>
      %broadcast_in_dim3A_183 = vector.shape_cast %select_n3A_182 : vector<16xi32> to vector<16x1xi32>
      %gather3A_184 = vector.shape_cast %broadcast_in_dim3A_183 : vector<16x1xi32> to vector<16xi32>
      %gather3A_185 = tpu.dynamic_gather %add3A_172[%gather3A_184] in [0] : vector<16xf32>, vector<16xi32> -> vector<16xf32>
      %add3A_186 = arith.addf %add3A_172, %gather3A_185 : vector<16xf32>
      %mul3A_187 = arith.mulf %scan3A_126#0, %get3A_26 : vector<16xf32>
      %mul3A_188 = arith.mulf %scan3A_126#1, %get3A_31 : vector<16xf32>
      %add3A_189 = arith.addf %mul3A_187, %mul3A_188 : vector<16xf32>
      %mul3A_190 = arith.mulf %scan3A_126#2, %get3A_36 : vector<16xf32>
      %add3A_191 = arith.addf %add3A_189, %mul3A_190 : vector<16xf32>
      %mul3A_192 = arith.mulf %scan3A_126#3, %get3A_41 : vector<16xf32>
      %add3A_193 = arith.addf %add3A_191, %mul3A_192 : vector<16xf32>
      %xor3A_194 = arith.constant 8 : i32
      %xor3A_195 = vector.broadcast %xor3A_194 : i32 to vector<16xi32>
      %xor3A_196 = arith.xori %iota3A, %xor3A_195 : vector<16xi32>
      %lt3A_197 = arith.constant 0 : i32
      %lt3A_198 = vector.broadcast %lt3A_197 : i32 to vector<16xi32>
      %lt3A_199 = arith.cmpi slt, %xor3A_196, %lt3A_198 : vector<16xi32>
      %add3A_200 = arith.constant 16 : i32
      %add3A_201 = vector.broadcast %add3A_200 : i32 to vector<16xi32>
      %add3A_202 = arith.addi %xor3A_196, %add3A_201 : vector<16xi32>
      %select_n3A_203 = arith.select %lt3A_199, %add3A_202, %xor3A_196 : vector<16xi1>, vector<16xi32>
      %broadcast_in_dim3A_204 = vector.shape_cast %select_n3A_203 : vector<16xi32> to vector<16x1xi32>
      %gather3A_205 = vector.shape_cast %broadcast_in_dim3A_204 : vector<16x1xi32> to vector<16xi32>
      %gather3A_206 = tpu.dynamic_gather %add3A_193[%gather3A_205] in [0] : vector<16xf32>, vector<16xi32> -> vector<16xf32>
      %add3A_207 = arith.addf %add3A_193, %gather3A_206 : vector<16xf32>
      %xor3A_208 = arith.constant 4 : i32
      %xor3A_209 = vector.broadcast %xor3A_208 : i32 to vector<16xi32>
      %xor3A_210 = arith.xori %iota3A, %xor3A_209 : vector<16xi32>
      %lt3A_211 = arith.constant 0 : i32
      %lt3A_212 = vector.broadcast %lt3A_211 : i32 to vector<16xi32>
      %lt3A_213 = arith.cmpi slt, %xor3A_210, %lt3A_212 : vector<16xi32>
      %add3A_214 = arith.constant 16 : i32
      %add3A_215 = vector.broadcast %add3A_214 : i32 to vector<16xi32>
      %add3A_216 = arith.addi %xor3A_210, %add3A_215 : vector<16xi32>
      %select_n3A_217 = arith.select %lt3A_213, %add3A_216, %xor3A_210 : vector<16xi1>, vector<16xi32>
      %broadcast_in_dim3A_218 = vector.shape_cast %select_n3A_217 : vector<16xi32> to vector<16x1xi32>
      %gather3A_219 = vector.shape_cast %broadcast_in_dim3A_218 : vector<16x1xi32> to vector<16xi32>
      %gather3A_220 = tpu.dynamic_gather %add3A_207[%gather3A_219] in [0] : vector<16xf32>, vector<16xi32> -> vector<16xf32>
      %add3A_221 = arith.addf %add3A_207, %gather3A_220 : vector<16xf32>
      %xor3A_222 = arith.constant 2 : i32
      %xor3A_223 = vector.broadcast %xor3A_222 : i32 to vector<16xi32>
      %xor3A_224 = arith.xori %iota3A, %xor3A_223 : vector<16xi32>
      %lt3A_225 = arith.constant 0 : i32
      %lt3A_226 = vector.broadcast %lt3A_225 : i32 to vector<16xi32>
      %lt3A_227 = arith.cmpi slt, %xor3A_224, %lt3A_226 : vector<16xi32>
      %add3A_228 = arith.constant 16 : i32
      %add3A_229 = vector.broadcast %add3A_228 : i32 to vector<16xi32>
      %add3A_230 = arith.addi %xor3A_224, %add3A_229 : vector<16xi32>
      %select_n3A_231 = arith.select %lt3A_227, %add3A_230, %xor3A_224 : vector<16xi1>, vector<16xi32>
      %broadcast_in_dim3A_232 = vector.shape_cast %select_n3A_231 : vector<16xi32> to vector<16x1xi32>
      %gather3A_233 = vector.shape_cast %broadcast_in_dim3A_232 : vector<16x1xi32> to vector<16xi32>
      %gather3A_234 = tpu.dynamic_gather %add3A_221[%gather3A_233] in [0] : vector<16xf32>, vector<16xi32> -> vector<16xf32>
      %add3A_235 = arith.addf %add3A_221, %gather3A_234 : vector<16xf32>
      %xor3A_236 = arith.constant 1 : i32
      %xor3A_237 = vector.broadcast %xor3A_236 : i32 to vector<16xi32>
      %xor3A_238 = arith.xori %iota3A, %xor3A_237 : vector<16xi32>
      %lt3A_239 = arith.constant 0 : i32
      %lt3A_240 = vector.broadcast %lt3A_239 : i32 to vector<16xi32>
      %lt3A_241 = arith.cmpi slt, %xor3A_238, %lt3A_240 : vector<16xi32>
      %add3A_242 = arith.constant 16 : i32
      %add3A_243 = vector.broadcast %add3A_242 : i32 to vector<16xi32>
      %add3A_244 = arith.addi %xor3A_238, %add3A_243 : vector<16xi32>
      %select_n3A_245 = arith.select %lt3A_241, %add3A_244, %xor3A_238 : vector<16xi1>, vector<16xi32>
      %broadcast_in_dim3A_246 = vector.shape_cast %select_n3A_245 : vector<16xi32> to vector<16x1xi32>
      %gather3A_247 = vector.shape_cast %broadcast_in_dim3A_246 : vector<16x1xi32> to vector<16xi32>
      %gather3A_248 = tpu.dynamic_gather %add3A_235[%gather3A_247] in [0] : vector<16xf32>, vector<16xi32> -> vector<16xf32>
      %add3A_249 = arith.addf %add3A_235, %gather3A_248 : vector<16xf32>
      %eq3A = arith.constant 0 : i32
      %eq3A_250 = vector.broadcast %eq3A : i32 to vector<16xi32>
      %eq3A_251 = arith.cmpi eq, %iota3A, %eq3A_250 : vector<16xi32>
      %select_n3A_252 = arith.select %eq3A_251, %add3A_186, %add3A_249 : vector<16xi1>, vector<16xf32>
      %mul3A_253 = vector.broadcast %scan3A_68 : f32 to vector<16xf32>
      %mul3A_254 = arith.mulf %select_n3A_252, %mul3A_253 : vector<16xf32>
      %add3A_255 = arith.addf %mul3A_254, %get3A_44 : vector<16xf32>
      %swap3A = arith.index_cast %mul3A_76 : i32 to index
      %swap3A_256 = arith.constant 0 : index
      %swap3A_257 = tpu.vector_load %arg11[%swap3A, %swap3A_256] {strides = array<i32>} : memref<128x16xf32, #tpu.memory_space<vmem>>, vector<1x16xf32>,
      %swap3A_258 = vector.shape_cast %swap3A_257 : vector<1x16xf32> to vector<16xf32>
      %swap3A_259 = vector.shape_cast %add3A_255 : vector<16xf32> to vector<1x16xf32>
      tpu.vector_store %arg11[%swap3A, %swap3A_256], %swap3A_259 {strides = array<i32>} : memref<128x16xf32, #tpu.memory_space<vmem>>, vector<1x16xf32>,
      %add3A_260 = arith.constant 2 : i32
      %add3A_261 = arith.addi %mul3A_76, %add3A_260 : i32
      %lt3A_262 = arith.constant 128 : i32
      %lt3A_263 = arith.cmpi slt, %add3A_261, %lt3A_262 : i32
      %convert_element_type3A = arith.extui %lt3A_263 : i1 to i32
      %cond3A = arith.constant 0 : i32
      %cond3A_264 = arith.cmpi ne, %convert_element_type3A, %cond3A : i32
      scf.if %cond3A_264 {
        %add3A_434 = arith.constant 2 : i32
        %add3A_435 = arith.addi %mul3A_76, %add3A_434 : i32
        %dma_start3A_436 = arith.constant 0 : i32
        %dma_start3A_437 = arith.constant 0 : i32
        %dma_start3A_438 = arith.constant 0 : i32
        %dma_start3A_439 = tpu.memref_slice %arg8[%dma_start3A_436, %dma_start3A_437, %dma_start3A_438] : memref<2x200x64xf32, #tpu.memory_space<vmem>> -> memref<1x128x64xf32, #tpu.memory_space<vmem>>
        %dma_start3A_440 = tpu.memref_squeeze %dma_start3A_439 : memref<1x128x64xf32, #tpu.memory_space<vmem>> -> memref<128x64xf32, #tpu.memory_space<vmem>>
        %dma_start3A_441 = arith.constant 0 : i32
        %dma_start3A_442 = tpu.memref_slice %arg7[%add3A_435, %dma_start3A_441] : memref<128x256xi32, #tpu.memory_space<vmem>> -> memref<1x128xi32, #tpu.memory_space<vmem>>
        %dma_start3A_443 = tpu.memref_squeeze %dma_start3A_442 : memref<1x128xi32, #tpu.memory_space<vmem>> -> memref<128xi32, #tpu.memory_space<vmem>>
        %dma_start3A_444 = arith.constant 0 : i32
        %dma_start3A_445 = arith.constant 0 : i32
        %dma_start3A_446 = tpu.memref_slice %arg3[%dma_start3A_444, %dma_start3A_445] : memref<1000000x64xf32, #tpu.memory_space<hbm>> -> memref<1000000x64xf32, #tpu.memory_space<hbm>>
        tpu.enqueue_indirect_dma source(%dma_start3A_446 : memref<1000000x64xf32, #tpu.memory_space<hbm>>) target(%dma_start3A_440 : memref<128x64xf32, #tpu.memory_space<vmem>>) offsets(%dma_start3A_443 : memref<128xi32, #tpu.memory_space<vmem>>) semaphore(%arg12 : memref<!tpu.dma_semaphore, #tpu.memory_space<semaphore_mem>>)
        %dma_start3A_447 = arith.constant 0 : i32
        %dma_start3A_448 = arith.constant 128 : i32
        %dma_start3A_449 = arith.constant 0 : i32
        %dma_start3A_450 = tpu.memref_slice %arg8[%dma_start3A_447, %dma_start3A_448, %dma_start3A_449] : memref<2x200x64xf32, #tpu.memory_space<vmem>> -> memref<1x72x64xf32, #tpu.memory_space<vmem>>
        %dma_start3A_451 = tpu.memref_squeeze %dma_start3A_450 : memref<1x72x64xf32, #tpu.memory_space<vmem>> -> memref<72x64xf32, #tpu.memory_space<vmem>>
        %dma_start3A_452 = arith.constant 128 : i32
        %dma_start3A_453 = tpu.memref_slice %arg7[%add3A_435, %dma_start3A_452] : memref<128x256xi32, #tpu.memory_space<vmem>> -> memref<1x72xi32, #tpu.memory_space<vmem>>
        %dma_start3A_454 = tpu.memref_squeeze %dma_start3A_453 : memref<1x72xi32, #tpu.memory_space<vmem>> -> memref<72xi32, #tpu.memory_space<vmem>>
        %dma_start3A_455 = arith.constant 0 : i32
        %dma_start3A_456 = arith.constant 0 : i32
        %dma_start3A_457 = tpu.memref_slice %arg3[%dma_start3A_455, %dma_start3A_456] : memref<1000000x64xf32, #tpu.memory_space<hbm>> -> memref<1000000x64xf32, #tpu.memory_space<hbm>>
        tpu.enqueue_indirect_dma source(%dma_start3A_457 : memref<1000000x64xf32, #tpu.memory_space<hbm>>) target(%dma_start3A_451 : memref<72x64xf32, #tpu.memory_space<vmem>>) offsets(%dma_start3A_454 : memref<72xi32, #tpu.memory_space<vmem>>) semaphore(%arg12 : memref<!tpu.dma_semaphore, #tpu.memory_space<semaphore_mem>>)
      } else {
      }
      %add3A_265 = arith.constant 1 : i32
      %add3A_266 = arith.addi %mul3A_76, %add3A_265 : i32
      %dma_wait3A_267 = arith.constant 1 : i32
      %dma_wait3A_268 = arith.constant 0 : i32
      %dma_wait3A_269 = arith.constant 0 : i32
      %dma_wait3A_270 = tpu.memref_slice %arg8[%dma_wait3A_267, %dma_wait3A_268, %dma_wait3A_269] : memref<2x200x64xf32, #tpu.memory_space<vmem>> -> memref<1x200x64xf32, #tpu.memory_space<vmem>>
      %dma_wait3A_271 = tpu.memref_squeeze %dma_wait3A_270 : memref<1x200x64xf32, #tpu.memory_space<vmem>> -> memref<200x64xf32, #tpu.memory_space<vmem>>
      %dma_wait3A_272 = arith.constant 0 : i32
      %dma_wait3A_273 = arith.constant 0 : i32
      %dma_wait3A_274 = tpu.memref_slice %arg3[%dma_wait3A_272, %dma_wait3A_273] : memref<1000000x64xf32, #tpu.memory_space<hbm>> -> memref<200x64xf32, #tpu.memory_space<hbm>>
      %dma_wait3A_275 = arith.constant 0 : i32
      %dma_wait3A_276 = arith.constant 0 : i32
      %dma_wait3A_277 = tpu.memref_slice %arg8[%dma_wait3A_267, %dma_wait3A_275, %dma_wait3A_276] : memref<2x200x64xf32, #tpu.memory_space<vmem>> -> memref<1x200x64xf32, #tpu.memory_space<vmem>>
      %dma_wait3A_278 = tpu.memref_squeeze %dma_wait3A_277 : memref<1x200x64xf32, #tpu.memory_space<vmem>> -> memref<200x64xf32, #tpu.memory_space<vmem>>
      %dma_wait3A_279 = arith.constant 0 : i32
      %dma_wait3A_280 = arith.constant 0 : i32
      %dma_wait3A_281 = tpu.memref_slice %arg3[%dma_wait3A_279, %dma_wait3A_280] : memref<1000000x64xf32, #tpu.memory_space<hbm>> -> memref<200x64xf32, #tpu.memory_space<hbm>>
      tpu.wait_dma2 semaphore(%arg13 : memref<!tpu.dma_semaphore, #tpu.memory_space<semaphore_mem>>) src(%dma_wait3A_281 : memref<200x64xf32, #tpu.memory_space<hbm>>) dst(%dma_wait3A_278 : memref<200x64xf32, #tpu.memory_space<vmem>>)
      %broadcast_in_dim3A_282 = arith.constant 0.000000e+00 : f32
      %broadcast_in_dim3A_283 = vector.broadcast %broadcast_in_dim3A_282 : f32 to vector<16xf32>
      %broadcast_in_dim3A_284 = arith.constant 0.000000e+00 : f32
      %broadcast_in_dim3A_285 = vector.broadcast %broadcast_in_dim3A_284 : f32 to vector<16xf32>
      %broadcast_in_dim3A_286 = arith.constant 0.000000e+00 : f32
      %broadcast_in_dim3A_287 = vector.broadcast %broadcast_in_dim3A_286 : f32 to vector<16xf32>
      %broadcast_in_dim3A_288 = arith.constant 0.000000e+00 : f32
      %broadcast_in_dim3A_289 = vector.broadcast %broadcast_in_dim3A_288 : f32 to vector<16xf32>
      %scan3A_290 = arith.constant 0 : i32
      %scan3A_291 = arith.constant 200 : i32
      %scan3A_292 = arith.addi %scan3A_290, %scan3A_291 : i32
      %scan3A_293 = arith.constant 10 : i32
      %scan3A_294:4 = scf.for %scan3A_434 = %scan3A_290 to %scan3A_292 step %scan3A_293 iter_args(%scan3A_435 = %broadcast_in_dim3A_283, %scan3A_436 = %broadcast_in_dim3A_285, %scan3A_437 = %broadcast_in_dim3A_287, %scan3A_438 = %broadcast_in_dim3A_289) -> (vector<16xf32>, vector<16xf32>, vector<16xf32>, vector<16xf32>)  : i32 {
        %get3A_439 = arith.constant 1 : i32
        %get3A_440 = arith.index_cast %get3A_439 : i32 to index
        %get3A_441 = arith.index_cast %scan3A_434 : i32 to index
        %get3A_442 = arith.constant 0 : index
        %get3A_443 = tpu.vector_load %arg8[%get3A_440, %get3A_441, %get3A_442] {strides = array<i32>} : memref<2x200x64xf32, #tpu.memory_space<vmem>>, vector<1x1x16xf32>,
        %get3A_444 = vector.shape_cast %get3A_443 : vector<1x1x16xf32> to vector<16xf32>
        %add3A_445 = arith.addf %scan3A_435, %get3A_444 : vector<16xf32>
        %get3A_446 = arith.constant 1 : i32
        %get3A_447 = arith.index_cast %get3A_446 : i32 to index
        %get3A_448 = arith.index_cast %scan3A_434 : i32 to index
        %get3A_449 = arith.constant 16 : index
        %get3A_450 = tpu.vector_load %arg8[%get3A_447, %get3A_448, %get3A_449] {strides = array<i32>} : memref<2x200x64xf32, #tpu.memory_space<vmem>>, vector<1x1x16xf32>,
        %get3A_451 = vector.shape_cast %get3A_450 : vector<1x1x16xf32> to vector<16xf32>
        %add3A_452 = arith.addf %scan3A_436, %get3A_451 : vector<16xf32>
        %get3A_453 = arith.constant 1 : i32
        %get3A_454 = arith.index_cast %get3A_453 : i32 to index
        %get3A_455 = arith.index_cast %scan3A_434 : i32 to index
        %get3A_456 = arith.constant 32 : index
        %get3A_457 = tpu.vector_load %arg8[%get3A_454, %get3A_455, %get3A_456] {strides = array<i32>} : memref<2x200x64xf32, #tpu.memory_space<vmem>>, vector<1x1x16xf32>,
        %get3A_458 = vector.shape_cast %get3A_457 : vector<1x1x16xf32> to vector<16xf32>
        %add3A_459 = arith.addf %scan3A_437, %get3A_458 : vector<16xf32>
        %get3A_460 = arith.constant 1 : i32
        %get3A_461 = arith.index_cast %get3A_460 : i32 to index
        %get3A_462 = arith.index_cast %scan3A_434 : i32 to index
        %get3A_463 = arith.constant 48 : index
        %get3A_464 = tpu.vector_load %arg8[%get3A_461, %get3A_462, %get3A_463] {strides = array<i32>} : memref<2x200x64xf32, #tpu.memory_space<vmem>>, vector<1x1x16xf32>,
        %get3A_465 = vector.shape_cast %get3A_464 : vector<1x1x16xf32> to vector<16xf32>
        %add3A_466 = arith.addf %scan3A_438, %get3A_465 : vector<16xf32>
        %scan3A_467 = arith.constant 1 : i32
        %scan3A_468 = arith.addi %scan3A_434, %scan3A_467 : i32
        %get3A_469 = arith.constant 1 : i32
        %get3A_470 = arith.index_cast %get3A_469 : i32 to index
        %get3A_471 = arith.index_cast %scan3A_468 : i32 to index
        %get3A_472 = arith.constant 0 : index
        %get3A_473 = tpu.vector_load %arg8[%get3A_470, %get3A_471, %get3A_472] {strides = array<i32>} : memref<2x200x64xf32, #tpu.memory_space<vmem>>, vector<1x1x16xf32>,
        %get3A_474 = vector.shape_cast %get3A_473 : vector<1x1x16xf32> to vector<16xf32>
        %add3A_475 = arith.addf %add3A_445, %get3A_474 : vector<16xf32>
        %get3A_476 = arith.constant 1 : i32
        %get3A_477 = arith.index_cast %get3A_476 : i32 to index
        %get3A_478 = arith.index_cast %scan3A_468 : i32 to index
        %get3A_479 = arith.constant 16 : index
        %get3A_480 = tpu.vector_load %arg8[%get3A_477, %get3A_478, %get3A_479] {strides = array<i32>} : memref<2x200x64xf32, #tpu.memory_space<vmem>>, vector<1x1x16xf32>,
        %get3A_481 = vector.shape_cast %get3A_480 : vector<1x1x16xf32> to vector<16xf32>
        %add3A_482 = arith.addf %add3A_452, %get3A_481 : vector<16xf32>
        %get3A_483 = arith.constant 1 : i32
        %get3A_484 = arith.index_cast %get3A_483 : i32 to index
        %get3A_485 = arith.index_cast %scan3A_468 : i32 to index
        %get3A_486 = arith.constant 32 : index
        %get3A_487 = tpu.vector_load %arg8[%get3A_484, %get3A_485, %get3A_486] {strides = array<i32>} : memref<2x200x64xf32, #tpu.memory_space<vmem>>, vector<1x1x16xf32>,
        %get3A_488 = vector.shape_cast %get3A_487 : vector<1x1x16xf32> to vector<16xf32>
        %add3A_489 = arith.addf %add3A_459, %get3A_488 : vector<16xf32>
        %get3A_490 = arith.constant 1 : i32
        %get3A_491 = arith.index_cast %get3A_490 : i32 to index
        %get3A_492 = arith.index_cast %scan3A_468 : i32 to index
        %get3A_493 = arith.constant 48 : index
        %get3A_494 = tpu.vector_load %arg8[%get3A_491, %get3A_492, %get3A_493] {strides = array<i32>} : memref<2x200x64xf32, #tpu.memory_space<vmem>>, vector<1x1x16xf32>,
        %get3A_495 = vector.shape_cast %get3A_494 : vector<1x1x16xf32> to vector<16xf32>
        %add3A_496 = arith.addf %add3A_466, %get3A_495 : vector<16xf32>
        %scan3A_497 = arith.constant 2 : i32
        %scan3A_498 = arith.addi %scan3A_434, %scan3A_497 : i32
        %get3A_499 = arith.constant 1 : i32
        %get3A_500 = arith.index_cast %get3A_499 : i32 to index
        %get3A_501 = arith.index_cast %scan3A_498 : i32 to index
        %get3A_502 = arith.constant 0 : index
        %get3A_503 = tpu.vector_load %arg8[%get3A_500, %get3A_501, %get3A_502] {strides = array<i32>} : memref<2x200x64xf32, #tpu.memory_space<vmem>>, vector<1x1x16xf32>,
        %get3A_504 = vector.shape_cast %get3A_503 : vector<1x1x16xf32> to vector<16xf32>
        %add3A_505 = arith.addf %add3A_475, %get3A_504 : vector<16xf32>
        %get3A_506 = arith.constant 1 : i32
        %get3A_507 = arith.index_cast %get3A_506 : i32 to index
        %get3A_508 = arith.index_cast %scan3A_498 : i32 to index
        %get3A_509 = arith.constant 16 : index
        %get3A_510 = tpu.vector_load %arg8[%get3A_507, %get3A_508, %get3A_509] {strides = array<i32>} : memref<2x200x64xf32, #tpu.memory_space<vmem>>, vector<1x1x16xf32>,
        %get3A_511 = vector.shape_cast %get3A_510 : vector<1x1x16xf32> to vector<16xf32>
        %add3A_512 = arith.addf %add3A_482, %get3A_511 : vector<16xf32>
        %get3A_513 = arith.constant 1 : i32
        %get3A_514 = arith.index_cast %get3A_513 : i32 to index
        %get3A_515 = arith.index_cast %scan3A_498 : i32 to index
        %get3A_516 = arith.constant 32 : index
        %get3A_517 = tpu.vector_load %arg8[%get3A_514, %get3A_515, %get3A_516] {strides = array<i32>} : memref<2x200x64xf32, #tpu.memory_space<vmem>>, vector<1x1x16xf32>,
        %get3A_518 = vector.shape_cast %get3A_517 : vector<1x1x16xf32> to vector<16xf32>
        %add3A_519 = arith.addf %add3A_489, %get3A_518 : vector<16xf32>
        %get3A_520 = arith.constant 1 : i32
        %get3A_521 = arith.index_cast %get3A_520 : i32 to index
        %get3A_522 = arith.index_cast %scan3A_498 : i32 to index
        %get3A_523 = arith.constant 48 : index
        %get3A_524 = tpu.vector_load %arg8[%get3A_521, %get3A_522, %get3A_523] {strides = array<i32>} : memref<2x200x64xf32, #tpu.memory_space<vmem>>, vector<1x1x16xf32>,
        %get3A_525 = vector.shape_cast %get3A_524 : vector<1x1x16xf32> to vector<16xf32>
        %add3A_526 = arith.addf %add3A_496, %get3A_525 : vector<16xf32>
        %scan3A_527 = arith.constant 3 : i32
        %scan3A_528 = arith.addi %scan3A_434, %scan3A_527 : i32
        %get3A_529 = arith.constant 1 : i32
        %get3A_530 = arith.index_cast %get3A_529 : i32 to index
        %get3A_531 = arith.index_cast %scan3A_528 : i32 to index
        %get3A_532 = arith.constant 0 : index
        %get3A_533 = tpu.vector_load %arg8[%get3A_530, %get3A_531, %get3A_532] {strides = array<i32>} : memref<2x200x64xf32, #tpu.memory_space<vmem>>, vector<1x1x16xf32>,
        %get3A_534 = vector.shape_cast %get3A_533 : vector<1x1x16xf32> to vector<16xf32>
        %add3A_535 = arith.addf %add3A_505, %get3A_534 : vector<16xf32>
        %get3A_536 = arith.constant 1 : i32
        %get3A_537 = arith.index_cast %get3A_536 : i32 to index
        %get3A_538 = arith.index_cast %scan3A_528 : i32 to index
        %get3A_539 = arith.constant 16 : index
        %get3A_540 = tpu.vector_load %arg8[%get3A_537, %get3A_538, %get3A_539] {strides = array<i32>} : memref<2x200x64xf32, #tpu.memory_space<vmem>>, vector<1x1x16xf32>,
        %get3A_541 = vector.shape_cast %get3A_540 : vector<1x1x16xf32> to vector<16xf32>
        %add3A_542 = arith.addf %add3A_512, %get3A_541 : vector<16xf32>
        %get3A_543 = arith.constant 1 : i32
        %get3A_544 = arith.index_cast %get3A_543 : i32 to index
        %get3A_545 = arith.index_cast %scan3A_528 : i32 to index
        %get3A_546 = arith.constant 32 : index
        %get3A_547 = tpu.vector_load %arg8[%get3A_544, %get3A_545, %get3A_546] {strides = array<i32>} : memref<2x200x64xf32, #tpu.memory_space<vmem>>, vector<1x1x16xf32>,
        %get3A_548 = vector.shape_cast %get3A_547 : vector<1x1x16xf32> to vector<16xf32>
        %add3A_549 = arith.addf %add3A_519, %get3A_548 : vector<16xf32>
        %get3A_550 = arith.constant 1 : i32
        %get3A_551 = arith.index_cast %get3A_550 : i32 to index
        %get3A_552 = arith.index_cast %scan3A_528 : i32 to index
        %get3A_553 = arith.constant 48 : index
        %get3A_554 = tpu.vector_load %arg8[%get3A_551, %get3A_552, %get3A_553] {strides = array<i32>} : memref<2x200x64xf32, #tpu.memory_space<vmem>>, vector<1x1x16xf32>,
        %get3A_555 = vector.shape_cast %get3A_554 : vector<1x1x16xf32> to vector<16xf32>
        %add3A_556 = arith.addf %add3A_526, %get3A_555 : vector<16xf32>
        %scan3A_557 = arith.constant 4 : i32
        %scan3A_558 = arith.addi %scan3A_434, %scan3A_557 : i32
        %get3A_559 = arith.constant 1 : i32
        %get3A_560 = arith.index_cast %get3A_559 : i32 to index
        %get3A_561 = arith.index_cast %scan3A_558 : i32 to index
        %get3A_562 = arith.constant 0 : index
        %get3A_563 = tpu.vector_load %arg8[%get3A_560, %get3A_561, %get3A_562] {strides = array<i32>} : memref<2x200x64xf32, #tpu.memory_space<vmem>>, vector<1x1x16xf32>,
        %get3A_564 = vector.shape_cast %get3A_563 : vector<1x1x16xf32> to vector<16xf32>
        %add3A_565 = arith.addf %add3A_535, %get3A_564 : vector<16xf32>
        %get3A_566 = arith.constant 1 : i32
        %get3A_567 = arith.index_cast %get3A_566 : i32 to index
        %get3A_568 = arith.index_cast %scan3A_558 : i32 to index
        %get3A_569 = arith.constant 16 : index
        %get3A_570 = tpu.vector_load %arg8[%get3A_567, %get3A_568, %get3A_569] {strides = array<i32>} : memref<2x200x64xf32, #tpu.memory_space<vmem>>, vector<1x1x16xf32>,
        %get3A_571 = vector.shape_cast %get3A_570 : vector<1x1x16xf32> to vector<16xf32>
        %add3A_572 = arith.addf %add3A_542, %get3A_571 : vector<16xf32>
        %get3A_573 = arith.constant 1 : i32
        %get3A_574 = arith.index_cast %get3A_573 : i32 to index
        %get3A_575 = arith.index_cast %scan3A_558 : i32 to index
        %get3A_576 = arith.constant 32 : index
        %get3A_577 = tpu.vector_load %arg8[%get3A_574, %get3A_575, %get3A_576] {strides = array<i32>} : memref<2x200x64xf32, #tpu.memory_space<vmem>>, vector<1x1x16xf32>,
        %get3A_578 = vector.shape_cast %get3A_577 : vector<1x1x16xf32> to vector<16xf32>
        %add3A_579 = arith.addf %add3A_549, %get3A_578 : vector<16xf32>
        %get3A_580 = arith.constant 1 : i32
        %get3A_581 = arith.index_cast %get3A_580 : i32 to index
        %get3A_582 = arith.index_cast %scan3A_558 : i32 to index
        %get3A_583 = arith.constant 48 : index
        %get3A_584 = tpu.vector_load %arg8[%get3A_581, %get3A_582, %get3A_583] {strides = array<i32>} : memref<2x200x64xf32, #tpu.memory_space<vmem>>, vector<1x1x16xf32>,
        %get3A_585 = vector.shape_cast %get3A_584 : vector<1x1x16xf32> to vector<16xf32>
        %add3A_586 = arith.addf %add3A_556, %get3A_585 : vector<16xf32>
        %scan3A_587 = arith.constant 5 : i32
        %scan3A_588 = arith.addi %scan3A_434, %scan3A_587 : i32
        %get3A_589 = arith.constant 1 : i32
        %get3A_590 = arith.index_cast %get3A_589 : i32 to index
        %get3A_591 = arith.index_cast %scan3A_588 : i32 to index
        %get3A_592 = arith.constant 0 : index
        %get3A_593 = tpu.vector_load %arg8[%get3A_590, %get3A_591, %get3A_592] {strides = array<i32>} : memref<2x200x64xf32, #tpu.memory_space<vmem>>, vector<1x1x16xf32>,
        %get3A_594 = vector.shape_cast %get3A_593 : vector<1x1x16xf32> to vector<16xf32>
        %add3A_595 = arith.addf %add3A_565, %get3A_594 : vector<16xf32>
        %get3A_596 = arith.constant 1 : i32
        %get3A_597 = arith.index_cast %get3A_596 : i32 to index
        %get3A_598 = arith.index_cast %scan3A_588 : i32 to index
        %get3A_599 = arith.constant 16 : index
        %get3A_600 = tpu.vector_load %arg8[%get3A_597, %get3A_598, %get3A_599] {strides = array<i32>} : memref<2x200x64xf32, #tpu.memory_space<vmem>>, vector<1x1x16xf32>,
        %get3A_601 = vector.shape_cast %get3A_600 : vector<1x1x16xf32> to vector<16xf32>
        %add3A_602 = arith.addf %add3A_572, %get3A_601 : vector<16xf32>
        %get3A_603 = arith.constant 1 : i32
        %get3A_604 = arith.index_cast %get3A_603 : i32 to index
        %get3A_605 = arith.index_cast %scan3A_588 : i32 to index
        %get3A_606 = arith.constant 32 : index
        %get3A_607 = tpu.vector_load %arg8[%get3A_604, %get3A_605, %get3A_606] {strides = array<i32>} : memref<2x200x64xf32, #tpu.memory_space<vmem>>, vector<1x1x16xf32>,
        %get3A_608 = vector.shape_cast %get3A_607 : vector<1x1x16xf32> to vector<16xf32>
        %add3A_609 = arith.addf %add3A_579, %get3A_608 : vector<16xf32>
        %get3A_610 = arith.constant 1 : i32
        %get3A_611 = arith.index_cast %get3A_610 : i32 to index
        %get3A_612 = arith.index_cast %scan3A_588 : i32 to index
        %get3A_613 = arith.constant 48 : index
        %get3A_614 = tpu.vector_load %arg8[%get3A_611, %get3A_612, %get3A_613] {strides = array<i32>} : memref<2x200x64xf32, #tpu.memory_space<vmem>>, vector<1x1x16xf32>,
        %get3A_615 = vector.shape_cast %get3A_614 : vector<1x1x16xf32> to vector<16xf32>
        %add3A_616 = arith.addf %add3A_586, %get3A_615 : vector<16xf32>
        %scan3A_617 = arith.constant 6 : i32
        %scan3A_618 = arith.addi %scan3A_434, %scan3A_617 : i32
        %get3A_619 = arith.constant 1 : i32
        %get3A_620 = arith.index_cast %get3A_619 : i32 to index
        %get3A_621 = arith.index_cast %scan3A_618 : i32 to index
        %get3A_622 = arith.constant 0 : index
        %get3A_623 = tpu.vector_load %arg8[%get3A_620, %get3A_621, %get3A_622] {strides = array<i32>} : memref<2x200x64xf32, #tpu.memory_space<vmem>>, vector<1x1x16xf32>,
        %get3A_624 = vector.shape_cast %get3A_623 : vector<1x1x16xf32> to vector<16xf32>
        %add3A_625 = arith.addf %add3A_595, %get3A_624 : vector<16xf32>
        %get3A_626 = arith.constant 1 : i32
        %get3A_627 = arith.index_cast %get3A_626 : i32 to index
        %get3A_628 = arith.index_cast %scan3A_618 : i32 to index
        %get3A_629 = arith.constant 16 : index
        %get3A_630 = tpu.vector_load %arg8[%get3A_627, %get3A_628, %get3A_629] {strides = array<i32>} : memref<2x200x64xf32, #tpu.memory_space<vmem>>, vector<1x1x16xf32>,
        %get3A_631 = vector.shape_cast %get3A_630 : vector<1x1x16xf32> to vector<16xf32>
        %add3A_632 = arith.addf %add3A_602, %get3A_631 : vector<16xf32>
        %get3A_633 = arith.constant 1 : i32
        %get3A_634 = arith.index_cast %get3A_633 : i32 to index
        %get3A_635 = arith.index_cast %scan3A_618 : i32 to index
        %get3A_636 = arith.constant 32 : index
        %get3A_637 = tpu.vector_load %arg8[%get3A_634, %get3A_635, %get3A_636] {strides = array<i32>} : memref<2x200x64xf32, #tpu.memory_space<vmem>>, vector<1x1x16xf32>,
        %get3A_638 = vector.shape_cast %get3A_637 : vector<1x1x16xf32> to vector<16xf32>
        %add3A_639 = arith.addf %add3A_609, %get3A_638 : vector<16xf32>
        %get3A_640 = arith.constant 1 : i32
        %get3A_641 = arith.index_cast %get3A_640 : i32 to index
        %get3A_642 = arith.index_cast %scan3A_618 : i32 to index
        %get3A_643 = arith.constant 48 : index
        %get3A_644 = tpu.vector_load %arg8[%get3A_641, %get3A_642, %get3A_643] {strides = array<i32>} : memref<2x200x64xf32, #tpu.memory_space<vmem>>, vector<1x1x16xf32>,
        %get3A_645 = vector.shape_cast %get3A_644 : vector<1x1x16xf32> to vector<16xf32>
        %add3A_646 = arith.addf %add3A_616, %get3A_645 : vector<16xf32>
        %scan3A_647 = arith.constant 7 : i32
        %scan3A_648 = arith.addi %scan3A_434, %scan3A_647 : i32
        %get3A_649 = arith.constant 1 : i32
        %get3A_650 = arith.index_cast %get3A_649 : i32 to index
        %get3A_651 = arith.index_cast %scan3A_648 : i32 to index
        %get3A_652 = arith.constant 0 : index
        %get3A_653 = tpu.vector_load %arg8[%get3A_650, %get3A_651, %get3A_652] {strides = array<i32>} : memref<2x200x64xf32, #tpu.memory_space<vmem>>, vector<1x1x16xf32>,
        %get3A_654 = vector.shape_cast %get3A_653 : vector<1x1x16xf32> to vector<16xf32>
        %add3A_655 = arith.addf %add3A_625, %get3A_654 : vector<16xf32>
        %get3A_656 = arith.constant 1 : i32
        %get3A_657 = arith.index_cast %get3A_656 : i32 to index
        %get3A_658 = arith.index_cast %scan3A_648 : i32 to index
        %get3A_659 = arith.constant 16 : index
        %get3A_660 = tpu.vector_load %arg8[%get3A_657, %get3A_658, %get3A_659] {strides = array<i32>} : memref<2x200x64xf32, #tpu.memory_space<vmem>>, vector<1x1x16xf32>,
        %get3A_661 = vector.shape_cast %get3A_660 : vector<1x1x16xf32> to vector<16xf32>
        %add3A_662 = arith.addf %add3A_632, %get3A_661 : vector<16xf32>
        %get3A_663 = arith.constant 1 : i32
        %get3A_664 = arith.index_cast %get3A_663 : i32 to index
        %get3A_665 = arith.index_cast %scan3A_648 : i32 to index
        %get3A_666 = arith.constant 32 : index
        %get3A_667 = tpu.vector_load %arg8[%get3A_664, %get3A_665, %get3A_666] {strides = array<i32>} : memref<2x200x64xf32, #tpu.memory_space<vmem>>, vector<1x1x16xf32>,
        %get3A_668 = vector.shape_cast %get3A_667 : vector<1x1x16xf32> to vector<16xf32>
        %add3A_669 = arith.addf %add3A_639, %get3A_668 : vector<16xf32>
        %get3A_670 = arith.constant 1 : i32
        %get3A_671 = arith.index_cast %get3A_670 : i32 to index
        %get3A_672 = arith.index_cast %scan3A_648 : i32 to index
        %get3A_673 = arith.constant 48 : index
        %get3A_674 = tpu.vector_load %arg8[%get3A_671, %get3A_672, %get3A_673] {strides = array<i32>} : memref<2x200x64xf32, #tpu.memory_space<vmem>>, vector<1x1x16xf32>,
        %get3A_675 = vector.shape_cast %get3A_674 : vector<1x1x16xf32> to vector<16xf32>
        %add3A_676 = arith.addf %add3A_646, %get3A_675 : vector<16xf32>
        %scan3A_677 = arith.constant 8 : i32
        %scan3A_678 = arith.addi %scan3A_434, %scan3A_677 : i32
        %get3A_679 = arith.constant 1 : i32
        %get3A_680 = arith.index_cast %get3A_679 : i32 to index
        %get3A_681 = arith.index_cast %scan3A_678 : i32 to index
        %get3A_682 = arith.constant 0 : index
        %get3A_683 = tpu.vector_load %arg8[%get3A_680, %get3A_681, %get3A_682] {strides = array<i32>} : memref<2x200x64xf32, #tpu.memory_space<vmem>>, vector<1x1x16xf32>,
        %get3A_684 = vector.shape_cast %get3A_683 : vector<1x1x16xf32> to vector<16xf32>
        %add3A_685 = arith.addf %add3A_655, %get3A_684 : vector<16xf32>
        %get3A_686 = arith.constant 1 : i32
        %get3A_687 = arith.index_cast %get3A_686 : i32 to index
        %get3A_688 = arith.index_cast %scan3A_678 : i32 to index
        %get3A_689 = arith.constant 16 : index
        %get3A_690 = tpu.vector_load %arg8[%get3A_687, %get3A_688, %get3A_689] {strides = array<i32>} : memref<2x200x64xf32, #tpu.memory_space<vmem>>, vector<1x1x16xf32>,
        %get3A_691 = vector.shape_cast %get3A_690 : vector<1x1x16xf32> to vector<16xf32>
        %add3A_692 = arith.addf %add3A_662, %get3A_691 : vector<16xf32>
        %get3A_693 = arith.constant 1 : i32
        %get3A_694 = arith.index_cast %get3A_693 : i32 to index
        %get3A_695 = arith.index_cast %scan3A_678 : i32 to index
        %get3A_696 = arith.constant 32 : index
        %get3A_697 = tpu.vector_load %arg8[%get3A_694, %get3A_695, %get3A_696] {strides = array<i32>} : memref<2x200x64xf32, #tpu.memory_space<vmem>>, vector<1x1x16xf32>,
        %get3A_698 = vector.shape_cast %get3A_697 : vector<1x1x16xf32> to vector<16xf32>
        %add3A_699 = arith.addf %add3A_669, %get3A_698 : vector<16xf32>
        %get3A_700 = arith.constant 1 : i32
        %get3A_701 = arith.index_cast %get3A_700 : i32 to index
        %get3A_702 = arith.index_cast %scan3A_678 : i32 to index
        %get3A_703 = arith.constant 48 : index
        %get3A_704 = tpu.vector_load %arg8[%get3A_701, %get3A_702, %get3A_703] {strides = array<i32>} : memref<2x200x64xf32, #tpu.memory_space<vmem>>, vector<1x1x16xf32>,
        %get3A_705 = vector.shape_cast %get3A_704 : vector<1x1x16xf32> to vector<16xf32>
        %add3A_706 = arith.addf %add3A_676, %get3A_705 : vector<16xf32>
        %scan3A_707 = arith.constant 9 : i32
        %scan3A_708 = arith.addi %scan3A_434, %scan3A_707 : i32
        %get3A_709 = arith.constant 1 : i32
        %get3A_710 = arith.index_cast %get3A_709 : i32 to index
        %get3A_711 = arith.index_cast %scan3A_708 : i32 to index
        %get3A_712 = arith.constant 0 : index
        %get3A_713 = tpu.vector_load %arg8[%get3A_710, %get3A_711, %get3A_712] {strides = array<i32>} : memref<2x200x64xf32, #tpu.memory_space<vmem>>, vector<1x1x16xf32>,
        %get3A_714 = vector.shape_cast %get3A_713 : vector<1x1x16xf32> to vector<16xf32>
        %add3A_715 = arith.addf %add3A_685, %get3A_714 : vector<16xf32>
        %get3A_716 = arith.constant 1 : i32
        %get3A_717 = arith.index_cast %get3A_716 : i32 to index
        %get3A_718 = arith.index_cast %scan3A_708 : i32 to index
        %get3A_719 = arith.constant 16 : index
        %get3A_720 = tpu.vector_load %arg8[%get3A_717, %get3A_718, %get3A_719] {strides = array<i32>} : memref<2x200x64xf32, #tpu.memory_space<vmem>>, vector<1x1x16xf32>,
        %get3A_721 = vector.shape_cast %get3A_720 : vector<1x1x16xf32> to vector<16xf32>
        %add3A_722 = arith.addf %add3A_692, %get3A_721 : vector<16xf32>
        %get3A_723 = arith.constant 1 : i32
        %get3A_724 = arith.index_cast %get3A_723 : i32 to index
        %get3A_725 = arith.index_cast %scan3A_708 : i32 to index
        %get3A_726 = arith.constant 32 : index
        %get3A_727 = tpu.vector_load %arg8[%get3A_724, %get3A_725, %get3A_726] {strides = array<i32>} : memref<2x200x64xf32, #tpu.memory_space<vmem>>, vector<1x1x16xf32>,
        %get3A_728 = vector.shape_cast %get3A_727 : vector<1x1x16xf32> to vector<16xf32>
        %add3A_729 = arith.addf %add3A_699, %get3A_728 : vector<16xf32>
        %get3A_730 = arith.constant 1 : i32
        %get3A_731 = arith.index_cast %get3A_730 : i32 to index
        %get3A_732 = arith.index_cast %scan3A_708 : i32 to index
        %get3A_733 = arith.constant 48 : index
        %get3A_734 = tpu.vector_load %arg8[%get3A_731, %get3A_732, %get3A_733] {strides = array<i32>} : memref<2x200x64xf32, #tpu.memory_space<vmem>>, vector<1x1x16xf32>,
        %get3A_735 = vector.shape_cast %get3A_734 : vector<1x1x16xf32> to vector<16xf32>
        %add3A_736 = arith.addf %add3A_706, %get3A_735 : vector<16xf32>
        scf.yield %add3A_715, %add3A_722, %add3A_729, %add3A_736 : vector<16xf32>, vector<16xf32>, vector<16xf32>, vector<16xf32>
      }
      %scan3A_295 = arith.constant 200 : i32
      %mul3A_296 = arith.mulf %scan3A_294#0, %get3A_6 : vector<16xf32>
      %mul3A_297 = arith.mulf %scan3A_294#1, %get3A_11 : vector<16xf32>
      %add3A_298 = arith.addf %mul3A_296, %mul3A_297 : vector<16xf32>
      %mul3A_299 = arith.mulf %scan3A_294#2, %get3A_16 : vector<16xf32>
      %add3A_300 = arith.addf %add3A_298, %mul3A_299 : vector<16xf32>
      %mul3A_301 = arith.mulf %scan3A_294#3, %get3A_21 : vector<16xf32>
      %add3A_302 = arith.addf %add3A_300, %mul3A_301 : vector<16xf32>
      %xor3A_303 = arith.constant 8 : i32
      %xor3A_304 = vector.broadcast %xor3A_303 : i32 to vector<16xi32>
      %xor3A_305 = arith.xori %iota3A, %xor3A_304 : vector<16xi32>
      %lt3A_306 = arith.constant 0 : i32
      %lt3A_307 = vector.broadcast %lt3A_306 : i32 to vector<16xi32>
      %lt3A_308 = arith.cmpi slt, %xor3A_305, %lt3A_307 : vector<16xi32>
      %add3A_309 = arith.constant 16 : i32
      %add3A_310 = vector.broadcast %add3A_309 : i32 to vector<16xi32>
      %add3A_311 = arith.addi %xor3A_305, %add3A_310 : vector<16xi32>
      %select_n3A_312 = arith.select %lt3A_308, %add3A_311, %xor3A_305 : vector<16xi1>, vector<16xi32>
      %broadcast_in_dim3A_313 = vector.shape_cast %select_n3A_312 : vector<16xi32> to vector<16x1xi32>
      %gather3A_314 = vector.shape_cast %broadcast_in_dim3A_313 : vector<16x1xi32> to vector<16xi32>
      %gather3A_315 = tpu.dynamic_gather %add3A_302[%gather3A_314] in [0] : vector<16xf32>, vector<16xi32> -> vector<16xf32>
      %add3A_316 = arith.addf %add3A_302, %gather3A_315 : vector<16xf32>
      %xor3A_317 = arith.constant 4 : i32
      %xor3A_318 = vector.broadcast %xor3A_317 : i32 to vector<16xi32>
      %xor3A_319 = arith.xori %iota3A, %xor3A_318 : vector<16xi32>
      %lt3A_320 = arith.constant 0 : i32
      %lt3A_321 = vector.broadcast %lt3A_320 : i32 to vector<16xi32>
      %lt3A_322 = arith.cmpi slt, %xor3A_319, %lt3A_321 : vector<16xi32>
      %add3A_323 = arith.constant 16 : i32
      %add3A_324 = vector.broadcast %add3A_323 : i32 to vector<16xi32>
      %add3A_325 = arith.addi %xor3A_319, %add3A_324 : vector<16xi32>
      %select_n3A_326 = arith.select %lt3A_322, %add3A_325, %xor3A_319 : vector<16xi1>, vector<16xi32>
      %broadcast_in_dim3A_327 = vector.shape_cast %select_n3A_326 : vector<16xi32> to vector<16x1xi32>
      %gather3A_328 = vector.shape_cast %broadcast_in_dim3A_327 : vector<16x1xi32> to vector<16xi32>
      %gather3A_329 = tpu.dynamic_gather %add3A_316[%gather3A_328] in [0] : vector<16xf32>, vector<16xi32> -> vector<16xf32>
      %add3A_330 = arith.addf %add3A_316, %gather3A_329 : vector<16xf32>
      %xor3A_331 = arith.constant 2 : i32
      %xor3A_332 = vector.broadcast %xor3A_331 : i32 to vector<16xi32>
      %xor3A_333 = arith.xori %iota3A, %xor3A_332 : vector<16xi32>
      %lt3A_334 = arith.constant 0 : i32
      %lt3A_335 = vector.broadcast %lt3A_334 : i32 to vector<16xi32>
      %lt3A_336 = arith.cmpi slt, %xor3A_333, %lt3A_335 : vector<16xi32>
      %add3A_337 = arith.constant 16 : i32
      %add3A_338 = vector.broadcast %add3A_337 : i32 to vector<16xi32>
      %add3A_339 = arith.addi %xor3A_333, %add3A_338 : vector<16xi32>
      %select_n3A_340 = arith.select %lt3A_336, %add3A_339, %xor3A_333 : vector<16xi1>, vector<16xi32>
      %broadcast_in_dim3A_341 = vector.shape_cast %select_n3A_340 : vector<16xi32> to vector<16x1xi32>
      %gather3A_342 = vector.shape_cast %broadcast_in_dim3A_341 : vector<16x1xi32> to vector<16xi32>
      %gather3A_343 = tpu.dynamic_gather %add3A_330[%gather3A_342] in [0] : vector<16xf32>, vector<16xi32> -> vector<16xf32>
      %add3A_344 = arith.addf %add3A_330, %gather3A_343 : vector<16xf32>
      %xor3A_345 = arith.constant 1 : i32
      %xor3A_346 = vector.broadcast %xor3A_345 : i32 to vector<16xi32>
      %xor3A_347 = arith.xori %iota3A, %xor3A_346 : vector<16xi32>
      %lt3A_348 = arith.constant 0 : i32
      %lt3A_349 = vector.broadcast %lt3A_348 : i32 to vector<16xi32>
      %lt3A_350 = arith.cmpi slt, %xor3A_347, %lt3A_349 : vector<16xi32>
      %add3A_351 = arith.constant 16 : i32
      %add3A_352 = vector.broadcast %add3A_351 : i32 to vector<16xi32>
      %add3A_353 = arith.addi %xor3A_347, %add3A_352 : vector<16xi32>
      %select_n3A_354 = arith.select %lt3A_350, %add3A_353, %xor3A_347 : vector<16xi1>, vector<16xi32>
      %broadcast_in_dim3A_355 = vector.shape_cast %select_n3A_354 : vector<16xi32> to vector<16x1xi32>
      %gather3A_356 = vector.shape_cast %broadcast_in_dim3A_355 : vector<16x1xi32> to vector<16xi32>
      %gather3A_357 = tpu.dynamic_gather %add3A_344[%gather3A_356] in [0] : vector<16xf32>, vector<16xi32> -> vector<16xf32>
      %add3A_358 = arith.addf %add3A_344, %gather3A_357 : vector<16xf32>
      %mul3A_359 = arith.mulf %scan3A_294#0, %get3A_26 : vector<16xf32>
      %mul3A_360 = arith.mulf %scan3A_294#1, %get3A_31 : vector<16xf32>
      %add3A_361 = arith.addf %mul3A_359, %mul3A_360 : vector<16xf32>
      %mul3A_362 = arith.mulf %scan3A_294#2, %get3A_36 : vector<16xf32>
      %add3A_363 = arith.addf %add3A_361, %mul3A_362 : vector<16xf32>
      %mul3A_364 = arith.mulf %scan3A_294#3, %get3A_41 : vector<16xf32>
      %add3A_365 = arith.addf %add3A_363, %mul3A_364 : vector<16xf32>
      %xor3A_366 = arith.constant 8 : i32
      %xor3A_367 = vector.broadcast %xor3A_366 : i32 to vector<16xi32>
      %xor3A_368 = arith.xori %iota3A, %xor3A_367 : vector<16xi32>
      %lt3A_369 = arith.constant 0 : i32
      %lt3A_370 = vector.broadcast %lt3A_369 : i32 to vector<16xi32>
      %lt3A_371 = arith.cmpi slt, %xor3A_368, %lt3A_370 : vector<16xi32>
      %add3A_372 = arith.constant 16 : i32
      %add3A_373 = vector.broadcast %add3A_372 : i32 to vector<16xi32>
      %add3A_374 = arith.addi %xor3A_368, %add3A_373 : vector<16xi32>
      %select_n3A_375 = arith.select %lt3A_371, %add3A_374, %xor3A_368 : vector<16xi1>, vector<16xi32>
      %broadcast_in_dim3A_376 = vector.shape_cast %select_n3A_375 : vector<16xi32> to vector<16x1xi32>
      %gather3A_377 = vector.shape_cast %broadcast_in_dim3A_376 : vector<16x1xi32> to vector<16xi32>
      %gather3A_378 = tpu.dynamic_gather %add3A_365[%gather3A_377] in [0] : vector<16xf32>, vector<16xi32> -> vector<16xf32>
      %add3A_379 = arith.addf %add3A_365, %gather3A_378 : vector<16xf32>
      %xor3A_380 = arith.constant 4 : i32
      %xor3A_381 = vector.broadcast %xor3A_380 : i32 to vector<16xi32>
      %xor3A_382 = arith.xori %iota3A, %xor3A_381 : vector<16xi32>
      %lt3A_383 = arith.constant 0 : i32
      %lt3A_384 = vector.broadcast %lt3A_383 : i32 to vector<16xi32>
      %lt3A_385 = arith.cmpi slt, %xor3A_382, %lt3A_384 : vector<16xi32>
      %add3A_386 = arith.constant 16 : i32
      %add3A_387 = vector.broadcast %add3A_386 : i32 to vector<16xi32>
      %add3A_388 = arith.addi %xor3A_382, %add3A_387 : vector<16xi32>
      %select_n3A_389 = arith.select %lt3A_385, %add3A_388, %xor3A_382 : vector<16xi1>, vector<16xi32>
      %broadcast_in_dim3A_390 = vector.shape_cast %select_n3A_389 : vector<16xi32> to vector<16x1xi32>
      %gather3A_391 = vector.shape_cast %broadcast_in_dim3A_390 : vector<16x1xi32> to vector<16xi32>
      %gather3A_392 = tpu.dynamic_gather %add3A_379[%gather3A_391] in [0] : vector<16xf32>, vector<16xi32> -> vector<16xf32>
      %add3A_393 = arith.addf %add3A_379, %gather3A_392 : vector<16xf32>
      %xor3A_394 = arith.constant 2 : i32
      %xor3A_395 = vector.broadcast %xor3A_394 : i32 to vector<16xi32>
      %xor3A_396 = arith.xori %iota3A, %xor3A_395 : vector<16xi32>
      %lt3A_397 = arith.constant 0 : i32
      %lt3A_398 = vector.broadcast %lt3A_397 : i32 to vector<16xi32>
      %lt3A_399 = arith.cmpi slt, %xor3A_396, %lt3A_398 : vector<16xi32>
      %add3A_400 = arith.constant 16 : i32
      %add3A_401 = vector.broadcast %add3A_400 : i32 to vector<16xi32>
      %add3A_402 = arith.addi %xor3A_396, %add3A_401 : vector<16xi32>
      %select_n3A_403 = arith.select %lt3A_399, %add3A_402, %xor3A_396 : vector<16xi1>, vector<16xi32>
      %broadcast_in_dim3A_404 = vector.shape_cast %select_n3A_403 : vector<16xi32> to vector<16x1xi32>
      %gather3A_405 = vector.shape_cast %broadcast_in_dim3A_404 : vector<16x1xi32> to vector<16xi32>
      %gather3A_406 = tpu.dynamic_gather %add3A_393[%gather3A_405] in [0] : vector<16xf32>, vector<16xi32> -> vector<16xf32>
      %add3A_407 = arith.addf %add3A_393, %gather3A_406 : vector<16xf32>
      %xor3A_408 = arith.constant 1 : i32
      %xor3A_409 = vector.broadcast %xor3A_408 : i32 to vector<16xi32>
      %xor3A_410 = arith.xori %iota3A, %xor3A_409 : vector<16xi32>
      %lt3A_411 = arith.constant 0 : i32
      %lt3A_412 = vector.broadcast %lt3A_411 : i32 to vector<16xi32>
      %lt3A_413 = arith.cmpi slt, %xor3A_410, %lt3A_412 : vector<16xi32>
      %add3A_414 = arith.constant 16 : i32
      %add3A_415 = vector.broadcast %add3A_414 : i32 to vector<16xi32>
      %add3A_416 = arith.addi %xor3A_410, %add3A_415 : vector<16xi32>
      %select_n3A_417 = arith.select %lt3A_413, %add3A_416, %xor3A_410 : vector<16xi1>, vector<16xi32>
      %broadcast_in_dim3A_418 = vector.shape_cast %select_n3A_417 : vector<16xi32> to vector<16x1xi32>
      %gather3A_419 = vector.shape_cast %broadcast_in_dim3A_418 : vector<16x1xi32> to vector<16xi32>
      %gather3A_420 = tpu.dynamic_gather %add3A_407[%gather3A_419] in [0] : vector<16xf32>, vector<16xi32> -> vector<16xf32>
      %add3A_421 = arith.addf %add3A_407, %gather3A_420 : vector<16xf32>
      %eq3A_422 = arith.constant 0 : i32
      %eq3A_423 = vector.broadcast %eq3A_422 : i32 to vector<16xi32>
      %eq3A_424 = arith.cmpi eq, %iota3A, %eq3A_423 : vector<16xi32>
      %select_n3A_425 = arith.select %eq3A_424, %add3A_358, %add3A_421 : vector<16xi1>, vector<16xf32>
      %mul3A_426 = vector.broadcast %scan3A_68 : f32 to vector<16xf32>
      %mul3A_427 = arith.mulf %select_n3A_425, %mul3A_426 : vector<16xf32>
      %add3A_428 = arith.addf %mul3A_427, %get3A_44 : vector<16xf32>
      %swap3A_429 = arith.index_cast %add3A_266 : i32 to index
      %swap3A_430 = arith.constant 0 : index
      %swap3A_431 = tpu.vector_load %arg11[%swap3A_429, %swap3A_430] {strides = array<i32>} : memref<128x16xf32, #tpu.memory_space<vmem>>, vector<1x16xf32>,
      %swap3A_432 = vector.shape_cast %swap3A_431 : vector<1x16xf32> to vector<16xf32>
      %swap3A_433 = vector.shape_cast %add3A_428 : vector<16xf32> to vector<1x16xf32>
      tpu.vector_store %arg11[%swap3A_429, %swap3A_430], %swap3A_433 {strides = array<i32>} : memref<128x16xf32, #tpu.memory_space<vmem>>, vector<1x16xf32>,
    }
    %scan3A_73 = arith.constant 64 : i32
    "tpu.region"() ({
      %run_scoped3A = tpu.sem_alloc : memref<!tpu.dma_semaphore, #tpu.memory_space<semaphore_mem>>
      %dma_start3A_74 = arith.constant 0 : i32
      %dma_start3A_75 = tpu.memref_slice %arg6[%mul3A_2, %dma_start3A_74] : memref<4096x16xf32, #tpu.memory_space<hbm>> -> memref<128x16xf32, #tpu.memory_space<hbm>>
      %dma_start3A_76 = arith.constant 0 : i32
      %dma_start3A_77 = tpu.memref_slice %arg6[%mul3A_2, %dma_start3A_76] : memref<4096x16xf32, #tpu.memory_space<hbm>> -> memref<128x16xf32, #tpu.memory_space<hbm>>
      tpu.enqueue_dma source(%arg11 : memref<128x16xf32, #tpu.memory_space<vmem>>) target(%dma_start3A_77 : memref<128x16xf32, #tpu.memory_space<hbm>>) target_semaphore(%run_scoped3A : memref<!tpu.dma_semaphore, #tpu.memory_space<semaphore_mem>>)
      %dma_wait3A = arith.constant 0 : i32
      %dma_wait3A_78 = tpu.memref_slice %arg6[%mul3A_2, %dma_wait3A] : memref<4096x16xf32, #tpu.memory_space<hbm>> -> memref<128x16xf32, #tpu.memory_space<hbm>>
      %dma_wait3A_79 = arith.constant 0 : i32
      %dma_wait3A_80 = tpu.memref_slice %arg6[%mul3A_2, %dma_wait3A_79] : memref<4096x16xf32, #tpu.memory_space<hbm>> -> memref<128x16xf32, #tpu.memory_space<hbm>>
      tpu.wait_dma2 semaphore(%run_scoped3A : memref<!tpu.dma_semaphore, #tpu.memory_space<semaphore_mem>>) src(%arg11 : memref<128x16xf32, #tpu.memory_space<vmem>>) dst(%dma_wait3A_80 : memref<128x16xf32, #tpu.memory_space<hbm>>)
      tpu.yield
    }) : () -> ()
    return
  }
}

</mosaic_0001>

<sc_bundles>
// kernel: kernel.3.cloned.1.call-start
scs
__scs_entry_jumppad:
0x0: {  	(pc) =	sbr.rel $0x88, $3  }
0x1: {  	(tag) =	ssettag $0x0;
	lr =	simm.s32 $0x1  }
0x2: {  	[smem:$0x3F9D] =	sst lr;
	_ =	strace $0xD0000000  }
0x3: {  	_ = 	snop  }
0x4: {  	_ = 	snop  }
0x5: {  	_ = 	snop  }
0x6: {  	_ = 	snop  }
0x7: {  	_ = 	snop  }
__scs_overlays_trampoline_lowered:
0x8: {  	[smem:$0x3FAC] =	sst s0  }
0x9: {  	[smem:$0x3FAD] =	sst s1  }
0xa: {  	[smem:$0x3FAE] =	sst s2  }
0xb: {  	[smem:$0x3FAF] =	sst s3  }
0xc: {  	[smem:$0x3FB0] =	sst s4  }
0xd: {  	[smem:$0x3FB1] =	sst s5  }
0xe: {  	[smem:$0x3FB2] =	sst s6  }
0xf: {  	[smem:$0x3FB3] =	sst s7  }
0x10: {  	[smem:$0x3FB4] =	sst s8  }
0x11: {  	[smem:$0x3FB5] =	sst s9;
	s0 =	simm.s32 @!p0 $0x0  }
0x12: {  	s1 =	sld [smem:$0x3F9B];
	s0 =	simm.s32 @p0 $0x1  }
0x13: {  	[smem:$0x3FB6] =	sst s0;
	s0 =	simm.s32 @!p1 $0x0  }
0x14: {  	s2 =	sld [smem:$0x3F9A];
	s0 =	simm.s32 @p1 $0x1  }
0x15: {  	[smem:$0x3FB7] =	sst s0;
	s0 =	simm.s32 @!p2 $0x0  }
0x16: {  	s3 =	sld [smem:$0x3FDB];
	s0 =	simm.s32 @p2 $0x1  }
0x17: {  	s4 =	simm.s32 $0x1BF5;
	[smem:$0x3FB9] =	sst s0  }
0x18: {  	s0 =	sld [smem:$0x3F9C];
	_ =	swait.ge [sflag:s4], $0x0  }
0x19: {  	s7 =	sld [smem:$0x3F9D]  }
0x1a: {  	s8 =	sadd.s32 $0xFFFFE003, lr  }
0x1b: {  	s9 =	sadd.s32 $0xFFFFFEF7, lr;
	s5 =	simm.s32 $0xFFFFFFFF;
	p2 =	slt.u32 s8, $0xFFFFF086  }
0x1c: {  	p1 =	slt.u32 s9, $0xF7A;
	s5 =	simm.s32 @!p2 $0x0  }
0x1d: {  	s5 =	simm.s32 @p1 $0x1;
	p0 =	seq.s32 s7, s2  }
0x1e: {  	s7 =	smul.u32 @!p0 $0xF7A, s2;
	p2 =	seq.s32 @!p0 s5, $0x0  }
0x1f: {  	s9 =	smul.u32 $0xF7A, s1;
	s8 =	simm.s32 @!p0 $0x1BF5;
	p2 =	por !p2, p0  }
0x20: {  	[sflag:s8] =	ssyncset.s32 @!p0 $0xFFFFF086;
	s6 =	sadd.s32 @!p0 s3, s7;
	s7 =	simm.s32 @!p0 $0x108  }
0x21: {  	s3 =	sadd.s32 s3, s9;
	s6 =	sadd.s32 @!p0 $0x88, s6;
	s7 =	simm.s32 @p2 $0x1082  }
0x22: {  	[simem:s7], [sflag:s8] =	dma.local @!p0 [hbm:s6], $0xF7A  }
0x23: {  	s9 =	sor.u32 $0xD0000000, s2;
	s6 =	simm.s32 $0x108;
	_ =	swait.ge @!p0 [sflag:s8], $0x0  }
0x24: {  	s3 =	sadd.s32 $0x88, s3;
	s6 =	simm.s32 @!p1 $0x1082;
	[sflag:s4] =	ssyncset.s32 $0xFFFFF086  }
0x25: {  	[simem:s6], [sflag:s4] =	dma.local [hbm:s3], $0xF7A  }
0x26: {  	[smem:$0x3F9D] =	sst s1;
	(tag) =	ssettag s2;
	_ =	strace s9  }
0x27: {  	s1 =	sld [smem:$0x3FAD]  }
0x28: {  	s2 =	sld [smem:$0x3FAE]  }
0x29: {  	s4 =	sld [smem:$0x3FB0]  }
0x2a: {  	p0 =	seq.s32 s5, $0x0;
	s5 =	sld [smem:$0x3FB1]  }
0x2b: {  	s6 =	sld [smem:$0x3FB2]  }
0x2c: {  	s7 =	sld [smem:$0x3FB3]  }
0x2d: {  	s3 =	simm.s32 $0x108;
	s8 =	sld [smem:$0x3FB4]  }
0x2e: {  	s3 =	simm.s32 @!p0 $0x1082;
	s9 =	sld [smem:$0x3FB5]  }
0x2f: {  	lr =	sadd.s32 s0, s3;
	s0 =	sld [smem:$0x3FAC]  }
0x30: {  	s3 =	sld [smem:$0x3FAF]  }
0x31: {  	[smem:$0x3FB8] =	sst s10  }
0x32: {  	s10 =	sld [smem:$0x3FB6];
	_ =	sdelay $0x3  }
0x33: {  	p0 =	seq.s32 s10, $0x1;
	s10 =	sld [smem:$0x3FB8];
	_ =	sdelay $0x3  }
0x34: {  	[smem:$0x3FB8] =	sst s10  }
0x35: {  	s10 =	sld [smem:$0x3FB7];
	_ =	sdelay $0x3  }
0x36: {  	p1 =	seq.s32 s10, $0x1;
	s10 =	sld [smem:$0x3FB8];
	_ =	sdelay $0x3  }
0x37: {  	[smem:$0x3FB8] =	sst s10  }
0x38: {  	s10 =	sld [smem:$0x3FB9]  }
0x39: {  	_ = 	snop;
	(pc) =	sbr.ind lr, $3  }
0x3a: {  	_ = 	snop  }
0x3b: {  	_ = 	snop  }
0x3c: {  	p2 =	seq.s32 s10, $0x1;
	s10 =	sld [smem:$0x3FB8]  }
0x3d: {  	_ =	shalt  }
0x3e: {  	_ =	shalt  }
0x3f: {  	_ =	shalt  }
0x40: {  	_ =	shalt  }
0x41: {  	_ =	shalt  }
0x42: {  	_ =	shalt  }
0x43: {  	_ =	shalt  }
0x44: {  	_ =	shalt  }
0x45: {  	_ =	shalt  }
0x46: {  	_ =	shalt  }
0x47: {  	_ =	shalt  }
0x48: {  	_ =	shalt  }
0x49: {  	_ =	shalt  }
0x4a: {  	_ =	shalt  }
0x4b: {  	_ =	shalt  }
0x4c: {  	_ =	shalt  }
0x4d: {  	_ =	shalt  }
0x4e: {  	_ =	shalt  }
0x4f: {  	_ =	shalt  }
0x50: {  	_ =	shalt  }
0x51: {  	_ =	shalt  }
0x52: {  	_ =	shalt  }
0x53: {  	_ =	shalt  }
0x54: {  	_ =	shalt  }
0x55: {  	_ =	shalt  }
0x56: {  	_ =	shalt  }
0x57: {  	_ =	shalt  }
0x58: {  	_ =	shalt  }
0x59: {  	_ =	shalt  }
0x5a: {  	_ =	shalt  }
0x5b: {  	_ =	shalt  }
0x5c: {  	_ =	shalt  }
0x5d: {  	_ =	shalt  }
0x5e: {  	_ =	shalt  }
0x5f: {  	_ =	shalt  }
0x60: {  	_ =	shalt  }
0x61: {  	_ =	shalt  }
0x62: {  	_ =	shalt  }
0x63: {  	_ =	shalt  }
0x64: {  	_ =	shalt  }
0x65: {  	_ =	shalt  }
0x66: {  	_ =	shalt  }
0x67: {  	_ =	shalt  }
0x68: {  	_ =	shalt  }
0x69: {  	_ =	shalt  }
0x6a: {  	_ =	shalt  }
0x6b: {  	_ =	shalt  }
0x6c: {  	_ =	shalt  }
0x6d: {  	_ =	shalt  }
0x6e: {  	_ =	shalt  }
0x6f: {  	_ =	shalt  }
0x70: {  	_ =	shalt  }
0x71: {  	_ =	shalt  }
0x72: {  	_ =	shalt  }
0x73: {  	_ =	shalt  }
0x74: {  	_ =	shalt  }
0x75: {  	_ =	shalt  }
0x76: {  	_ =	shalt  }
0x77: {  	_ =	shalt  }
0x78: {  	_ =	shalt  }
0x79: {  	_ =	shalt  }
0x7a: {  	_ =	shalt  }
0x7b: {  	_ =	shalt  }
0x7c: {  	_ =	shalt  }
0x7d: {  	_ =	shalt  }
0x7e: {  	_ =	shalt  }
0x7f: {  	_ =	shalt  }
0x80: {  	_ =	shalt  }
0x81: {  	_ =	shalt  }
0x82: {  	_ =	shalt  }
0x83: {  	_ =	shalt  }
0x84: {  	_ =	shalt  }
0x85: {  	_ =	shalt  }
0x86: {  	_ =	shalt  }
0x87: {  	_ =	shalt  }
.Lfunc_end0:
.L_simem_size_0:
called_computation_lowered:
.L_overlay_start_0:
0x88: {  	s2 =	sld [smem:$0x3FD9]  }
0x89: {  	s3 =	sld [smem:$0x3FFE];
	_ =	sdelay $0x1  }
0x8a: {  	s1 =	srdreg.scid  }
0x8b: {  	s0 =	sand.u32 $0x1, s1  }
0x8c: {  	s17 =	sshll.u32 s0, $0xA;
	s2 =	sadd.s32 s3, s2  }
0x8d: {  	s2 =	sadd.s32 s2, s17  }
0x8e: {  	[smem:$0x3FC4] =	sst s2  }
0x8f: {  	_ = 	snop  }
0x90: {  	s2 =	sld [smem:$0x3FD0];
	(tm) =	ssettm $0x1  }
0x91: {  	s18 =	sld [smem:$0x3FFB];
	_ =	sdelay $0x3  }
0x92: {  	_ =	strace s18  }
0x93: {  	s3 =	sld [smem:$0x3FFC];
	_ =	sdelay $0x3  }
0x94: {  	_ =	strace s3  }
0x95: {  	s3 =	sld [smem:$0x3FFD];
	_ =	sdelay $0x3  }
0x96: {  	_ =	strace s3  }
0x97: {  	_ =	strace $0x8FFFFFFF  }
0x98: {  	s19 =	sld [smem:$0x3FDB];
	_ =	sdelay $0x1  }
0x99: {  	s4 =	simm.s32 $_scs_section_size  }
0x9a: {  	s5 =	simm.s32 $_size__tile_overlayer_lowered;
	s6 =	simm.s32 $_tile_overlayer_lowered  }
0x9b: {  	s22 =	simm.s32 $0x1BFF;
	s21 =	sshll.u32 s6, $0x1;
	s3 =	sadd.s32 s4, s19  }
0x9c: {  	s7 =	simm.s32 $0x0;
	s20 =	sshll.u32 s5, $0x1;
	s5 =	sadd.s32 s21, s3  }
0x9d: {  	[timem:s7], [sflag:s22] =	dma.local [hbm:s5], s20  }
0x9e: {  	_ =	swait.ge [sflag:s22], s20  }
0x9f: {  	s4 =	ssub.s32 $0x0, s20;
	[sflag:s22] =	ssyncset.done $0x0  }
0xa0: {  	[sflag:s22] =	ssyncadd.s32 s4;
	_ =	sdelay $0x1  }
0xa1: {  	s23 =	simm.s32 $0x1B8B  }
0xa2: {  	_ =	swait.ge [sflag:s23], $0x1  }
0xa3: {  	[sflag:s23] =	ssyncset.done $0x0  }
0xa4: {  	s25 =	simm.s32 $0x1B8E;
	s24 =	sld [smem:$0x3FFE];
	[sflag:s23] =	ssyncadd.s32 $0xFFFFFFFF  }
0xa5: {  	s26 =	simm.s32 $execute0_lowered;
	[smem:$0x3FD2] =	sst s25  }
0xa6: {  	s5 =	sshll.u32 s26, $0x1;
	_ =	strace $0x80000046;
	[dreg:$0x1] =	wrdreg $0xFFFFFFFF  }
0xa7: {  	s28 =	simm.s32 $_size_execute0_lowered;
	s3 =	sadd.s32 s3, s5;
	[dreg:$0x0] =	wrdreg $0x0  }
0xa8: {  	s5 =	sshll.u32 s28, $0x1;
	[dreg:$0x2] =	wrdreg s3  }
0xa9: {  	[dreg:$0x3] =	wrdreg s5  }
0xaa: {  	[dreg:$0x4] =	wrdreg $0xC0  }
0xab: {  	_ =	task [dreg:s7], $0x5FFFF  }
0xac: {  	[dreg:$0x1] =	wrdreg $0xFFFFFFFF  }
0xad: {  	[dreg:$0x0] =	wrdreg $0x60  }
0xae: {  	[dreg:$0x2] =	wrdreg s24  }
0xaf: {  	[dreg:$0x3] =	wrdreg s2  }
0xb0: {  	[dreg:$0x4] =	wrdreg $0x9  }
0xb1: {  	_ =	task.clear_ibuf [dreg:s7], $0x5FFFF;
	_ =	strace $0x90000046  }
0xb2: {  	s29 =	simm.s32 $0x9;
	_ =	strace $0x80000048  }
0xb3: {  	_ =	swait.ge [sflag:s29], $0x1  }
0xb4: {  	[sflag:s29] =	ssyncadd.s32 $0xFFFFFFFF  }
0xb5: {  	_ =	strace $0x90000048  }
0xb6: {  	_ =	sfence  }
0xb7: {  	s30 =	sld [smem:$0x0];
	_ =	sdelay $0x2  }
0xb8: {  	s31 =	sshll.u32 s1, $0xD;
	s1 =	sshrl.u32 s1, $0x2  }
0xb9: {  	s3 =	sand.u32 $0x4000, s31;
	s1 =	sadd.s32 s1, s30  }
0xba: {  	s0 =	sor.u32 s3, s0;
	s1 =	sshll.u32 s1, $0x11  }
0xbb: {  	s0 =	sor.u32 s1, s0  }
0xbc: {  	s0 =	sadd.s32 $0x8F2B, s0  }
0xbd: {  	[sflag:s0] =	ssyncadd.remote.s32 $0x1  }
0xbe: {  	_ =	sfence.sel $0xFFFF  }
0xbf: {  	[dreg:$0x0] =	wrdreg $0xFFFFFFFF;
	(pc) =	sbr.abs _section_cstart, $3  }
0xc0: {  	[dreg:$0x1] =	wrdreg $0xFFFFFFFF  }
0xc1: {  	_ =	task.clear_ibuf [dreg:s7], $0x2FFFF;
	_ =	strace $0x9FFFFFFF  }
0xc2: {  	(tm) =	ssettm $0x7FFFFFFF  }
0xc3: {  	_ =	shalt  }
tec
execute0_lowered:
.L_overlay_start_1:
0x0: {  	(tag) =	ssettag $0x1  }
0x1: {  	s6 =	rddreg [dreg:$0x0];
	v0 =	vimm.s32 $0xFEDCBA98;
	v1 =	vimm.s32 $0x76543210  }
0x2: {  	s1 =	rddreg [dreg:$0x1];
	s3 =	srdreg.scid;
	s2 =	simm.s32 $0x0;
	v2 =	vimm.s32 $0xBA98FEDC;
	v3 =	vimm.s32 $0x32107654;
	v4 =	vimm.s32 $0xDCFE98BA  }
0x3: {  	s0 =	stileid.u32;
	v5 =	vimm.s32 $0x54761032;
	v6 =	vimm.s32 $0xEFCDAB89;
	s11 =	simm.s32 $0xE480;
	s12 =	simm.s32 $0x80  }
0x4: {  	v7 =	vimm.s32 $0x67452301;
	s13 =	simm.s32 $0x8000;
	s14 =	simm.s32 $0x48;
	s15 =	simm.s32 $0xA000  }
0x5: {  	s16 =	simm.s32 $0xB200;
	s17 =	simm.s32 $0xD200;
	s18 =	simm.s32 $0x1;
	v0 =	vunpack.c.l.s4.s8 v0;
	v1 =	vunpack.c.l.s4.s8 v1;
	v2 =	vunpack.c.l.s4.s8 v2  }
0x6: {  	s19 =	simm.s32 $0x2;
	s20 =	simm.s32 $0xE490;
	s21 =	simm.s32 $0x0;
	v3 =	vunpack.c.l.s4.s8 v3;
	v4 =	vunpack.c.l.s4.s8 v4;
	v5 =	vunpack.c.l.s4.s8 v5  }
0x7: {  	s5 =	sand.u32 $0x1, s3;
	[smem:$0x7FF] =	sst s2;
	s4 =	sshll.u32 s0, $0x8;
	v6 =	vunpack.c.l.s4.s8 v6;
	v7 =	vunpack.c.l.s4.s8 v7;
	v0 =	vunpack.c.0.s8.s32 v0  }
0x8: {  	s3 =	rddreg [dreg:$0x2];
	s7 =	sshll.u32 s5, $0x7;
	_ =	strace $0x80000047;
	v2 =	vunpack.c.0.s8.s32 v2;
	v3 =	vunpack.c.0.s8.s32 v3;
	v4 =	vunpack.c.0.s8.s32 v4  }
0x9: {  	s9 =	ssub.s32 $0x2, s5;
	s5 =	sadd.s32 $0x20A00, s6;
	s7 =	sor.u32 s7, s4;
	v5 =	vunpack.c.0.s8.s32 v5;
	v6 =	vunpack.c.0.s8.s32 v6;
	v7 =	vunpack.c.0.s8.s32 v7  }
0xa: {  	s4 =	sadd.s32 $0xF42E00, s6;
	s10 =	sshrl.u32 s9, $0x1;
	v1 =	vunpack.c.0.s8.s32 v1;
	s8 =	sshll.u32 s7, $0x5;
	v2 =	vcombine.low v3, v2  }
0xb: {  	s7 =	sshll.u32 s7, $0x1;
	s9 =	ssub.s32 s9, s10;
	s8 =	sadd.s32 s8, s6;
	v3 =	vcombine.low v5, v4;
	v4 =	vcombine.low v7, v6;
	v0 =	vand.u32 $0xF, v0  }
0xc: {  	vm0 =	vmmov $0x1;
	s10 =	simm.s32 $0xE400;
	s7 =	sadd.s32 s7, s6;
	s6 =	sadd.s32 $0xA00, s8;
	v0 =	vcombine.low v0, v1  }
0xd: {  	s7 =	sadd.s32 $0x20C00, s7;
	s8 =	smax.u32 s9, $0x1;
	s9 =	simm.s32 $0x3;
	v1 =	vand.u32 $0xF, v2;
	v2 =	vand.u32 $0xF, v3;
	v3 =	vand.u32 $0xF, v4  }
.LBB2_1:
0xe: {  	[tilespmem:s2], [sflag:$0x3] =	stream.linear.gather [hbm4b:s6+s2], $0x8000, $0x38;
	[tilespmem:$0xEC90] =	vst v63  }
0xf: {  	_ =	swait.ge [sflag:s9], $0x8000  }
0x10: {  	[sflag:s9] =	ssyncset.done $0x0  }
0x11: {  	[sflag:s9] =	ssyncadd.s32 $0xFFFF8000  }
0x12: {  	[tilespmem:s10], [sflag:$0x3] =	stream.linear.gather [hbm4b:s1+s2], $0x80, $0x38;
	[tilespmem:$0xEC90] =	vst v63  }
0x13: {  	_ =	swait.ge [sflag:s9], $0x80  }
0x14: {  	[sflag:s9] =	ssyncset.done $0x0  }
0x15: {  	[sflag:s9] =	ssyncadd.s32 $0xFFFFFF80  }
0x16: {  	[tilespmem:s11], [sflag:$0x3] =	stream.linear.gather [hbm4b:s5+s2], $0x10, $0x38;
	[tilespmem:$0xEC90] =	vst v63  }
0x17: {  	_ =	swait.ge [sflag:s9], $0x10  }
0x18: {  	[sflag:s9] =	ssyncset.done $0x0  }
0x19: {  	[sflag:s9] =	ssyncadd.s32 $0xFFFFFFF0  }
0x1a: {  	v4 =	vld [tilespmem:$0xE400]  }
0x1b: {  	v5 =	vld [tilespmem:$0xE410]  }
0x1c: {  	v6 =	vld [tilespmem:$0xE420]  }
0x1d: {  	v7 =	vld [tilespmem:$0xE430]  }
0x1e: {  	v8 =	vld [tilespmem:$0xE440]  }
0x1f: {  	v9 =	vld [tilespmem:$0xE450]  }
0x20: {  	v10 =	vld [tilespmem:$0xE460]  }
0x21: {  	v11 =	vld [tilespmem:$0xE470]  }
0x22: {  	v12 =	vld [tilespmem:$0xE480];
	[tilespmem:s13], [sflag:$0x1] =	stream.indirect.gather [hbm4b:s4+s12], $0x40, s2, s12, $0xb8  }
0x23: {  	s22 =	simm.s32 $0x0  }
0x24: {  	[tilespmem:s15], [sflag:$0x1] =	stream.indirect.gather [hbm4b:s4+s14], $0x40, s12, s14, $0xb8;
	[tilespmem:$0xEC90] =	vst v63  }
.LBB2_2:
0x25: {  	s23 =	sshllo.u32 s22, $0x1  }
0x26: {  	s24 =	sshll.u32 s23, $0x8  }
0x27: {  	s24 =	sand.u32 $0x3FFFFF00, s24  }
0x28: {  	[tilespmem:s16], [sflag:$0x2] =	stream.indirect.gather [hbm4b:s4+s12], $0x40, s24, s12, $0xb8;
	[tilespmem:$0xEC90] =	vst v63  }
0x29: {  	s24 =	sor.u32 $0x80, s24  }
0x2a: {  	[tilespmem:s17], [sflag:$0x2] =	stream.indirect.gather [hbm4b:s4+s14], $0x40, s24, s14, $0xb8;
	[tilespmem:$0xEC90] =	vst v63  }
0x2b: {  	_ =	swait.ge [sflag:s18], $0x3200  }
0x2c: {  	[sflag:s18] =	ssyncset.done $0x0  }
0x2d: {  	s25 =	simm.s32 $0x8140;
	[sflag:s18] =	ssyncadd.s32 $0xFFFFCE00  }
0x2e: {  	v13 =	vld [tilespmem:s25+$0x100]  }
0x2f: {  	v15 =	vld [tilespmem:s25+$0x110]  }
0x30: {  	v14 =	vld [tilespmem:s25+$0xC0]  }
0x31: {  	v16 =	vld [tilespmem:s25+$0xD0]  }
0x32: {  	v21 =	vld [tilespmem:s25+$0x80]  }
0x33: {  	v26 =	vld [tilespmem:s25+$0x90]  }
0x34: {  	v19 =	vld [tilespmem:s25+$0x40]  }
0x35: {  	v22 =	vld [tilespmem:s25+$0x50]  }
0x36: {  	v18 =	vld [tilespmem:s25+$0x0]  }
0x37: {  	v20 =	vld [tilespmem:s25+$0x10]  }
0x38: {  	v17 =	vld [tilespmem:s25+$0xFFFFFFC0]  }
0x39: {  	v23 =	vld [tilespmem:s25+$0xFFFFFFD0]  }
0x3a: {  	v24 =	vld [tilespmem:s25+$0xFFFFFF80]  }
0x3b: {  	v25 =	vld [tilespmem:s25+$0xFFFFFF90]  }
0x3c: {  	v27 =	vld [tilespmem:s25+$0xFFFFFF40]  }
0x3d: {  	v28 =	vld [tilespmem:s25+$0xFFFFFF50]  }
0x3e: {  	v29 =	vld [tilespmem:s25+$0xFFFFFF00]  }
0x3f: {  	v30 =	vld [tilespmem:s25+$0xFFFFFF10]  }
0x40: {  	v31 =	vld [tilespmem:s25+$0xFFFFFEC0]  }
0x41: {  	v32 =	vld [tilespmem:s25+$0xFFFFFED0]  }
0x42: {  	v33 =	vld [tilespmem:s25+$0xFFFFFEE0]  }
0x43: {  	v34 =	vld [tilespmem:s25+$0xFFFFFEF0]  }
0x44: {  	v35 =	vld [tilespmem:s25+$0xFFFFFF20]  }
0x45: {  	v36 =	vld [tilespmem:s25+$0xFFFFFF30]  }
0x46: {  	v37 =	vimm.f32 $0.0e+00;
	v38 =	vld [tilespmem:s25+$0xFFFFFF60]  }
0x47: {  	v39 =	vld [tilespmem:s25+$0xFFFFFF70];
	v31 =	vadd.f32 v31, v37;
	v32 =	vadd.f32 v32, v37  }
0x48: {  	v50 =	vld [tilespmem:s25+$0xFFFFFFA0];
	v33 =	vadd.f32 v33, v37;
	v34 =	vadd.f32 v34, v37  }
0x49: {  	v51 =	vld [tilespmem:s25+$0xFFFFFFB0];
	v29 =	vadd.f32 v29, v31;
	v30 =	vadd.f32 v30, v32  }
0x4a: {  	v54 =	vld [tilespmem:s25+$0xFFFFFFE0];
	v52 =	vadd.f32 v35, v33;
	v53 =	vadd.f32 v36, v34  }
0x4b: {  	v55 =	vld [tilespmem:s25+$0xFFFFFFF0];
	v27 =	vadd.f32 v27, v29;
	v28 =	vadd.f32 v28, v30  }
0x4c: {  	v58 =	vld [tilespmem:s25+$0x20];
	v56 =	vadd.f32 v38, v52;
	v57 =	vadd.f32 v39, v53  }
0x4d: {  	v24 =	vadd.f32 v24, v27;
	v25 =	vadd.f32 v25, v28;
	v27 =	vld [tilespmem:s25+$0x30]  }
0x4e: {  	v61 =	vld [tilespmem:s25+$0x60];
	v59 =	vadd.f32 v50, v56;
	v60 =	vadd.f32 v51, v57  }
0x4f: {  	v24 =	vadd.f32 v17, v24;
	v23 =	vadd.f32 v23, v25;
	v25 =	vld [tilespmem:s25+$0x70]  }
0x50: {  	v28 =	vadd.f32 v54, v59;
	v29 =	vadd.f32 v55, v60;
	v17 =	vld [tilespmem:s25+$0xA0]  }
0x51: {  	v24 =	vadd.f32 v18, v24;
	v23 =	vadd.f32 v20, v23;
	v18 =	vld [tilespmem:s25+$0xB0]  }
0x52: {  	v28 =	vadd.f32 v58, v28;
	v20 =	vld [tilespmem:s25+$0xE0];
	v27 =	vadd.f32 v27, v29  }
0x53: {  	v62 =	vadd.f32 v19, v24;
	v63 =	vadd.f32 v22, v23;
	v19 =	vld [tilespmem:s25+$0xF0]  }
0x54: {  	v24 =	vadd.f32 v61, v28;
	v22 =	vld [tilespmem:s25+$0x120];
	v23 =	vadd.f32 v25, v27  }
0x55: {  	s24 =	simm.s32 $0x0;
	v25 =	vadd.f32 v21, v62;
	v26 =	vadd.f32 v26, v63;
	v21 =	vld [tilespmem:s25+$0x130];
	s25 =	simm.s32 $0x83C0  }
.LBB2_3:
0x56: {  	v27 =	vld [tilespmem:s25+$0x100];
	v17 =	vadd.f32 v17, v24;
	v18 =	vadd.f32 v18, v23  }
0x57: {  	v23 =	vld [tilespmem:s25+$0x110];
	v24 =	vadd.f32 v14, v25;
	v25 =	vadd.f32 v16, v26  }
0x58: {  	v14 =	vld [tilespmem:s25+$0xC0];
	v17 =	vadd.f32 v20, v17;
	v18 =	vadd.f32 v19, v18  }
0x59: {  	v16 =	vld [tilespmem:s25+$0xD0];
	v19 =	vadd.f32 v13, v24;
	v20 =	vadd.f32 v15, v25  }
0x5a: {  	v25 =	vld [tilespmem:s25+$0x80];
	v17 =	vadd.f32 v22, v17;
	v18 =	vadd.f32 v21, v18  }
0x5b: {  	v21 =	vld [tilespmem:s25+$0x90];
	v13 =	vmov v27  }
0x5c: {  	v22 =	vld [tilespmem:s25+$0x40];
	v15 =	vmov v23  }
0x5d: {  	v23 =	vld [tilespmem:s25+$0x50]  }
0x5e: {  	v24 =	vld [tilespmem:s25+$0x0]  }
0x5f: {  	v26 =	vld [tilespmem:s25+$0x10]  }
0x60: {  	v27 =	vld [tilespmem:s25+$0xFFFFFFC0]  }
0x61: {  	v28 =	vld [tilespmem:s25+$0xFFFFFFD0]  }
0x62: {  	v29 =	vld [tilespmem:s25+$0xFFFFFF80]  }
0x63: {  	v30 =	vld [tilespmem:s25+$0xFFFFFF90]  }
0x64: {  	v31 =	vld [tilespmem:s25+$0xFFFFFF40]  }
0x65: {  	v32 =	vld [tilespmem:s25+$0xFFFFFF50]  }
0x66: {  	v33 =	vld [tilespmem:s25+$0xFFFFFF00]  }
0x67: {  	v34 =	vld [tilespmem:s25+$0xFFFFFF10]  }
0x68: {  	v35 =	vld [tilespmem:s25+$0xFFFFFEC0]  }
0x69: {  	v36 =	vld [tilespmem:s25+$0xFFFFFED0]  }
0x6a: {  	v37 =	vld [tilespmem:s25+$0xFFFFFEE0]  }
0x6b: {  	s24 =	sadd.s32 $0xA, s24;
	v38 =	vld [tilespmem:s25+$0xFFFFFEF0]  }
0x6c: {  	p0 =	slt.u32 s24, $0xBE;
	v39 =	vld [tilespmem:s25+$0xFFFFFF20]  }
0x6d: {  	v40 =	vld [tilespmem:s25+$0xFFFFFF30]  }
0x6e: {  	v41 =	vld [tilespmem:s25+$0xFFFFFF60]  }
0x6f: {  	v19 =	vadd.f32 v35, v19;
	v20 =	vadd.f32 v36, v20;
	v35 =	vld [tilespmem:s25+$0xFFFFFF70]  }
0x70: {  	v17 =	vadd.f32 v37, v17;
	v18 =	vadd.f32 v38, v18;
	v36 =	vld [tilespmem:s25+$0xFFFFFFA0]  }
0x71: {  	v19 =	vadd.f32 v33, v19;
	v20 =	vadd.f32 v34, v20;
	v33 =	vld [tilespmem:s25+$0xFFFFFFB0]  }
0x72: {  	v17 =	vadd.f32 v39, v17;
	v18 =	vadd.f32 v40, v18;
	v34 =	vld [tilespmem:s25+$0xFFFFFFE0]  }
0x73: {  	v19 =	vadd.f32 v31, v19;
	v20 =	vadd.f32 v32, v20;
	v31 =	vld [tilespmem:s25+$0xFFFFFFF0]  }
0x74: {  	v17 =	vadd.f32 v41, v17;
	v18 =	vadd.f32 v35, v18;
	v32 =	vld [tilespmem:s25+$0x20]  }
0x75: {  	v19 =	vadd.f32 v29, v19;
	v20 =	vadd.f32 v30, v20;
	v29 =	vld [tilespmem:s25+$0x30]  }
0x76: {  	v17 =	vadd.f32 v36, v17;
	v18 =	vadd.f32 v33, v18;
	v30 =	vld [tilespmem:s25+$0x60]  }
0x77: {  	v19 =	vadd.f32 v27, v19;
	v20 =	vadd.f32 v28, v20;
	v27 =	vld [tilespmem:s25+$0x70]  }
0x78: {  	v28 =	vadd.f32 v34, v17;
	v31 =	vadd.f32 v31, v18;
	v17 =	vld [tilespmem:s25+$0xA0]  }
.Ltmp0:
0x79: {  	v19 =	vadd.f32 v24, v19;
	v24 =	vadd.f32 v26, v20;
	v18 =	vld [tilespmem:s25+$0xB0];
	(pc) =	sbr.rel @p0 .LBB2_3-.Ltmp0, $4  }
0x7a: {  	v26 =	vadd.f32 v32, v28;
	v28 =	vadd.f32 v29, v31;
	v20 =	vld [tilespmem:s25+$0xE0]  }
0x7b: {  	v29 =	vadd.f32 v22, v19;
	v31 =	vadd.f32 v23, v24;
	v19 =	vld [tilespmem:s25+$0xF0]  }
0x7c: {  	v24 =	vadd.f32 v30, v26;
	v23 =	vadd.f32 v27, v28;
	v22 =	vld [tilespmem:s25+$0x120]  }
0x7d: {  	v25 =	vadd.f32 v25, v29;
	v26 =	vadd.f32 v21, v31;
	v21 =	vld [tilespmem:s25+$0x130];
	s25 =	sadd.s32 $0x280, s25  }
0x7e: {  	v17 =	vadd.f32 v17, v24  }
0x7f: {  	v14 =	vadd.f32 v14, v25;
	v16 =	vadd.f32 v16, v26  }
0x80: {  	v17 =	vadd.f32 v20, v17  }
0x81: {  	v13 =	vadd.f32 v13, v14;
	v14 =	vadd.f32 v15, v16  }
0x82: {  	v15 =	vadd.f32 v18, v23  }
0x83: {  	v16 =	vadd.f32 v22, v17;
	v17 =	vmul.f32 v13, v4;
	v18 =	vmul.f32 v14, v5  }
0x84: {  	v15 =	vadd.f32 v19, v15;
	v13 =	vmul.f32 v13, v8;
	v14 =	vmul.f32 v14, v9  }
0x85: {  	v17 =	vadd.f32 v18, v17;
	v18 =	vmul.f32 v16, v6  }
0x86: {  	v15 =	vadd.f32 v21, v15;
	v13 =	vadd.f32 v14, v13;
	v14 =	vmul.f32 v16, v10  }
0x87: {  	v16 =	vadd.f32 v18, v17  }
0x88: {  	v17 =	vmul.f32 v15, v7;
	v13 =	vadd.f32 v14, v13;
	v14 =	vmul.f32 v15, v11;
	_ =	sdelay $0x1  }
0x89: {  	v15 =	vadd.f32 v17, v16;
	v13 =	vadd.f32 v14, v13;
	_ =	sdelay $0x1  }
0x8a: {  	v14 =	vperm.xlane v15, v0;
	v16 =	vperm.xlane v13, v0;
	_ =	sdelay $0x1  }
0x8b: {  	v14 =	vadd.f32 v14, v15;
	v13 =	vadd.f32 v16, v13;
	_ =	sdelay $0x1  }
0x8c: {  	v15 =	vperm.xlane v14, v1;
	v16 =	vperm.xlane v13, v1;
	_ =	sdelay $0x1  }
0x8d: {  	v14 =	vadd.f32 v15, v14;
	v13 =	vadd.f32 v16, v13;
	_ =	sdelay $0x1  }
0x8e: {  	v15 =	vperm.xlane v14, v2;
	v16 =	vperm.xlane v13, v2;
	_ =	sdelay $0x1  }
0x8f: {  	v14 =	vadd.f32 v15, v14;
	v13 =	vadd.f32 v16, v13;
	_ =	sdelay $0x1  }
0x90: {  	v15 =	vperm.xlane v14, v3;
	v16 =	vperm.xlane v13, v3;
	_ =	sdelay $0x1  }
0x91: {  	v14 =	vadd.f32 v15, v14;
	v13 =	vadd.f32 v16, v13;
	_ =	sdelay $0x1  }
0x92: {  	v13 =	vsel vm0, v14, v13  }
0x93: {  	v13 =	vmul.f32 $4.999999890e-03, v13  }
0x94: {  	p0 =	seq.s32 s22, $0x3F  }
0x95: {  	s24 =	sshll.u32 s22, $0x5;
	s25 =	sshll.u32 @!p0 s22, $0x9;
	v13 =	vadd.f32 v13, v12  }
0x96: {  	s24 =	sand.u32 $0x3FFFFFE0, s24;
	s25 =	sand.u32 @!p0 $0x3FFFFE00, s25  }
0x97: {  	s26 =	simm.s32 @!p0 $0x80;
	s28 =	simm.s32 @!p0 $0x8000;
	[tilespmem:s24+$0xE490] =	vst v13;
	s24 =	sadd.s32 @!p0 $0x200, s25  }
0x98: {  	[tilespmem:s28], [sflag:$0x1] =	stream.indirect.gather @!p0 [hbm4b:s4+s26], $0x40, s24, s26, $0xb8;
	[tilespmem:$0xEC90] =	vst v63  }
0x99: {  	s24 =	sadd.s32 @!p0 $0x280, s25;
	s25 =	simm.s32 @!p0 $0x48;
	s26 =	simm.s32 @!p0 $0xA000  }
0x9a: {  	[tilespmem:s26], [sflag:$0x1] =	stream.indirect.gather @!p0 [hbm4b:s4+s25], $0x40, s24, s25, $0xb8;
	[tilespmem:$0xEC90] =	vst v63  }
0x9b: {  	_ =	swait.ge [sflag:s19], $0x3200  }
0x9c: {  	[sflag:s19] =	ssyncset.done $0x0  }
0x9d: {  	s31 =	simm.s32 $0xB470;
	[sflag:s19] =	ssyncadd.s32 $0xFFFFCE00  }
0x9e: {  	v13 =	vld [tilespmem:s31+$0xFFFFFFD0]  }
0x9f: {  	v15 =	vld [tilespmem:s31+$0xFFFFFFE0]  }
0xa0: {  	v14 =	vld [tilespmem:s31+$0xFFFFFF90]  }
0xa1: {  	v16 =	vld [tilespmem:s31+$0xFFFFFFA0]  }
0xa2: {  	v21 =	vld [tilespmem:s31+$0xFFFFFF50]  }
0xa3: {  	v26 =	vld [tilespmem:s31+$0xFFFFFF60]  }
0xa4: {  	v19 =	vld [tilespmem:s31+$0xFFFFFF10]  }
0xa5: {  	v22 =	vld [tilespmem:s31+$0xFFFFFF20]  }
0xa6: {  	v18 =	vld [tilespmem:s31+$0xFFFFFED0]  }
0xa7: {  	v20 =	vld [tilespmem:s31+$0xFFFFFEE0]  }
0xa8: {  	v17 =	vld [tilespmem:s31+$0xFFFFFE90]  }
0xa9: {  	v23 =	vld [tilespmem:s31+$0xFFFFFEA0]  }
0xaa: {  	v24 =	vld [tilespmem:s31+$0xFFFFFE50]  }
0xab: {  	v25 =	vld [tilespmem:s31+$0xFFFFFE60]  }
0xac: {  	v27 =	vld [tilespmem:s31+$0xFFFFFE10]  }
0xad: {  	v28 =	vld [tilespmem:s31+$0xFFFFFE20]  }
0xae: {  	v29 =	vld [tilespmem:s31+$0xFFFFFDD0]  }
0xaf: {  	v30 =	vld [tilespmem:s31+$0xFFFFFDE0]  }
0xb0: {  	v31 =	vld [tilespmem:s31+$0xFFFFFD90]  }
0xb1: {  	v32 =	vld [tilespmem:s31+$0xFFFFFDA0]  }
0xb2: {  	v33 =	vld [tilespmem:s31+$0xFFFFFDB0]  }
0xb3: {  	v34 =	vld [tilespmem:s31+$0xFFFFFDC0]  }
0xb4: {  	v35 =	vld [tilespmem:s31+$0xFFFFFDF0]  }
0xb5: {  	v36 =	vld [tilespmem:s31+$0xFFFFFE00]  }
0xb6: {  	v37 =	vimm.f32 $0.0e+00;
	v38 =	vld [tilespmem:s31+$0xFFFFFE30]  }
0xb7: {  	v39 =	vld [tilespmem:s31+$0xFFFFFE40];
	v31 =	vadd.f32 v31, v37;
	v32 =	vadd.f32 v32, v37  }
0xb8: {  	v50 =	vld [tilespmem:s31+$0xFFFFFE70];
	v33 =	vadd.f32 v33, v37;
	v34 =	vadd.f32 v34, v37  }
0xb9: {  	v51 =	vld [tilespmem:s31+$0xFFFFFE80];
	v29 =	vadd.f32 v29, v31;
	v30 =	vadd.f32 v30, v32  }
0xba: {  	v54 =	vld [tilespmem:s31+$0xFFFFFEB0];
	v52 =	vadd.f32 v35, v33;
	v53 =	vadd.f32 v36, v34  }
0xbb: {  	v55 =	vld [tilespmem:s31+$0xFFFFFEC0];
	v27 =	vadd.f32 v27, v29;
	v28 =	vadd.f32 v28, v30  }
0xbc: {  	v58 =	vld [tilespmem:s31+$0xFFFFFEF0];
	v56 =	vadd.f32 v38, v52;
	v57 =	vadd.f32 v39, v53  }
0xbd: {  	v24 =	vadd.f32 v24, v27;
	v25 =	vadd.f32 v25, v28;
	v27 =	vld [tilespmem:s31+$0xFFFFFF00]  }
0xbe: {  	v61 =	vld [tilespmem:s31+$0xFFFFFF30];
	v59 =	vadd.f32 v50, v56;
	v60 =	vadd.f32 v51, v57  }
0xbf: {  	v24 =	vadd.f32 v17, v24;
	v23 =	vadd.f32 v23, v25;
	v25 =	vld [tilespmem:s31+$0xFFFFFF40]  }
0xc0: {  	v28 =	vadd.f32 v54, v59;
	v29 =	vadd.f32 v55, v60;
	v17 =	vld [tilespmem:s31+$0xFFFFFF70]  }
0xc1: {  	v24 =	vadd.f32 v18, v24;
	v23 =	vadd.f32 v20, v23;
	v18 =	vld [tilespmem:s31+$0xFFFFFF80]  }
0xc2: {  	v28 =	vadd.f32 v58, v28;
	v20 =	vld [tilespmem:s31+$0xFFFFFFB0];
	v27 =	vadd.f32 v27, v29  }
0xc3: {  	v62 =	vadd.f32 v19, v24;
	v63 =	vadd.f32 v22, v23;
	v19 =	vld [tilespmem:s31+$0xFFFFFFC0]  }
0xc4: {  	v24 =	vadd.f32 v61, v28;
	v22 =	vld [tilespmem:s31+$0xFFFFFFF0];
	v23 =	vadd.f32 v25, v27  }
0xc5: {  	s24 =	simm.s32 $0x0;
	s25 =	simm.s32 $0xB6F0;
	v25 =	vadd.f32 v21, v62;
	v26 =	vadd.f32 v26, v63;
	v21 =	vld [tilespmem:s31+$0x0]  }
.LBB2_5:
0xc6: {  	v27 =	vld [tilespmem:s25+$0xFFFFFFD0];
	v17 =	vadd.f32 v17, v24;
	v18 =	vadd.f32 v18, v23  }
0xc7: {  	v23 =	vld [tilespmem:s25+$0xFFFFFFE0];
	v24 =	vadd.f32 v14, v25;
	v25 =	vadd.f32 v16, v26  }
0xc8: {  	v14 =	vld [tilespmem:s25+$0xFFFFFF90];
	v17 =	vadd.f32 v20, v17;
	v18 =	vadd.f32 v19, v18  }
0xc9: {  	v16 =	vld [tilespmem:s25+$0xFFFFFFA0];
	v19 =	vadd.f32 v13, v24;
	v20 =	vadd.f32 v15, v25  }
0xca: {  	v25 =	vld [tilespmem:s25+$0xFFFFFF50];
	v17 =	vadd.f32 v22, v17;
	v18 =	vadd.f32 v21, v18  }
0xcb: {  	v21 =	vld [tilespmem:s25+$0xFFFFFF60];
	v13 =	vmov v27  }
0xcc: {  	v22 =	vld [tilespmem:s25+$0xFFFFFF10];
	v15 =	vmov v23  }
0xcd: {  	v23 =	vld [tilespmem:s25+$0xFFFFFF20]  }
0xce: {  	v24 =	vld [tilespmem:s25+$0xFFFFFED0]  }
0xcf: {  	v26 =	vld [tilespmem:s25+$0xFFFFFEE0]  }
0xd0: {  	v27 =	vld [tilespmem:s25+$0xFFFFFE90]  }
0xd1: {  	v28 =	vld [tilespmem:s25+$0xFFFFFEA0]  }
0xd2: {  	v29 =	vld [tilespmem:s25+$0xFFFFFE50]  }
0xd3: {  	v30 =	vld [tilespmem:s25+$0xFFFFFE60]  }
0xd4: {  	v31 =	vld [tilespmem:s25+$0xFFFFFE10]  }
0xd5: {  	v32 =	vld [tilespmem:s25+$0xFFFFFE20]  }
0xd6: {  	v33 =	vld [tilespmem:s25+$0xFFFFFDD0]  }
0xd7: {  	v34 =	vld [tilespmem:s25+$0xFFFFFDE0]  }
0xd8: {  	v35 =	vld [tilespmem:s25+$0xFFFFFD90]  }
0xd9: {  	v36 =	vld [tilespmem:s25+$0xFFFFFDA0]  }
0xda: {  	v37 =	vld [tilespmem:s25+$0xFFFFFDB0]  }
0xdb: {  	s24 =	sadd.s32 $0xA, s24;
	v38 =	vld [tilespmem:s25+$0xFFFFFDC0]  }
0xdc: {  	p0 =	slt.u32 s24, $0xBE;
	v39 =	vld [tilespmem:s25+$0xFFFFFDF0]  }
0xdd: {  	v40 =	vld [tilespmem:s25+$0xFFFFFE00]  }
0xde: {  	v41 =	vld [tilespmem:s25+$0xFFFFFE30]  }
0xdf: {  	v19 =	vadd.f32 v35, v19;
	v20 =	vadd.f32 v36, v20;
	v35 =	vld [tilespmem:s25+$0xFFFFFE40]  }
0xe0: {  	v17 =	vadd.f32 v37, v17;
	v18 =	vadd.f32 v38, v18;
	v36 =	vld [tilespmem:s25+$0xFFFFFE70]  }
0xe1: {  	v19 =	vadd.f32 v33, v19;
	v20 =	vadd.f32 v34, v20;
	v33 =	vld [tilespmem:s25+$0xFFFFFE80]  }
0xe2: {  	v17 =	vadd.f32 v39, v17;
	v18 =	vadd.f32 v40, v18;
	v34 =	vld [tilespmem:s25+$0xFFFFFEB0]  }
0xe3: {  	v19 =	vadd.f32 v31, v19;
	v20 =	vadd.f32 v32, v20;
	v31 =	vld [tilespmem:s25+$0xFFFFFEC0]  }
0xe4: {  	v17 =	vadd.f32 v41, v17;
	v18 =	vadd.f32 v35, v18;
	v32 =	vld [tilespmem:s25+$0xFFFFFEF0]  }
0xe5: {  	v19 =	vadd.f32 v29, v19;
	v20 =	vadd.f32 v30, v20;
	v29 =	vld [tilespmem:s25+$0xFFFFFF00]  }
0xe6: {  	v17 =	vadd.f32 v36, v17;
	v18 =	vadd.f32 v33, v18;
	v30 =	vld [tilespmem:s25+$0xFFFFFF30]  }
0xe7: {  	v19 =	vadd.f32 v27, v19;
	v20 =	vadd.f32 v28, v20;
	v27 =	vld [tilespmem:s25+$0xFFFFFF40]  }
0xe8: {  	v28 =	vadd.f32 v34, v17;
	v31 =	vadd.f32 v31, v18;
	v17 =	vld [tilespmem:s25+$0xFFFFFF70]  }
.Ltmp1:
0xe9: {  	v19 =	vadd.f32 v24, v19;
	v24 =	vadd.f32 v26, v20;
	v18 =	vld [tilespmem:s25+$0xFFFFFF80];
	(pc) =	sbr.rel @p0 .LBB2_5-.Ltmp1, $4  }
0xea: {  	v26 =	vadd.f32 v32, v28;
	v28 =	vadd.f32 v29, v31;
	v20 =	vld [tilespmem:s25+$0xFFFFFFB0]  }
0xeb: {  	v29 =	vadd.f32 v22, v19;
	v31 =	vadd.f32 v23, v24;
	v19 =	vld [tilespmem:s25+$0xFFFFFFC0]  }
0xec: {  	v24 =	vadd.f32 v30, v26;
	v23 =	vadd.f32 v27, v28;
	v22 =	vld [tilespmem:s25+$0xFFFFFFF0]  }
0xed: {  	v25 =	vadd.f32 v25, v29;
	v26 =	vadd.f32 v21, v31;
	v21 =	vld [tilespmem:s25+$0x0];
	s25 =	sadd.s32 $0x280, s25  }
0xee: {  	v17 =	vadd.f32 v17, v24  }
0xef: {  	v14 =	vadd.f32 v14, v25;
	v16 =	vadd.f32 v16, v26  }
0xf0: {  	v17 =	vadd.f32 v20, v17  }
0xf1: {  	v13 =	vadd.f32 v13, v14;
	v14 =	vadd.f32 v15, v16  }
0xf2: {  	v15 =	vadd.f32 v18, v23  }
0xf3: {  	v57 =	vadd.f32 v22, v17;
	v58 =	vmul.f32 v13, v4;
	v59 =	vmul.f32 v14, v5  }
0xf4: {  	v15 =	vadd.f32 v19, v15;
	v13 =	vmul.f32 v13, v8;
	v14 =	vmul.f32 v14, v9  }
0xf5: {  	v60 =	vmul.f32 v57, v6;
	v17 =	vadd.f32 v59, v58  }
0xf6: {  	v15 =	vadd.f32 v21, v15;
	v13 =	vadd.f32 v14, v13;
	v14 =	vmul.f32 v57, v10  }
0xf7: {  	v61 =	vadd.f32 v60, v17  }
0xf8: {  	v62 =	vmul.f32 v15, v7;
	v13 =	vadd.f32 v14, v13;
	v14 =	vmul.f32 v15, v11;
	_ =	sdelay $0x1  }
0xf9: {  	v15 =	vadd.f32 v62, v61;
	v13 =	vadd.f32 v14, v13;
	_ =	sdelay $0x1  }
0xfa: {  	v14 =	vperm.xlane v15, v0;
	v63 =	vperm.xlane v13, v0;
	_ =	sdelay $0x1  }
0xfb: {  	v14 =	vadd.f32 v14, v15;
	v13 =	vadd.f32 v63, v13;
	_ =	sdelay $0x1  }
0xfc: {  	v15 =	vperm.xlane v14, v1;
	v16 =	vperm.xlane v13, v1;
	_ =	sdelay $0x1  }
0xfd: {  	v14 =	vadd.f32 v15, v14;
	v13 =	vadd.f32 v16, v13;
	_ =	sdelay $0x1  }
0xfe: {  	v15 =	vperm.xlane v14, v2;
	v16 =	vperm.xlane v13, v2;
	_ =	sdelay $0x1  }
0xff: {  	v14 =	vadd.f32 v15, v14;
	v13 =	vadd.f32 v16, v13;
	_ =	sdelay $0x1  }
0x100: {  	v15 =	vperm.xlane v14, v3;
	v16 =	vperm.xlane v13, v3;
	_ =	sdelay $0x1  }
0x101: {  	v14 =	vadd.f32 v15, v14;
	v13 =	vadd.f32 v16, v13  }
0x102: {  	s22 =	sadd.s32 $0x1, s22  }
0x103: {  	p0 =	sne.s32 s22, $0x40;
	v13 =	vsel vm0, v14, v13  }
.Ltmp2:
0x104: {  	v13 =	vmul.f32 $4.999999890e-03, v13;
	(pc) =	sbr.rel @p0 .LBB2_2-.Ltmp2, $4  }
0x105: {  	_ = 	snop  }
0x106: {  	s23 =	sshll.u32 s23, $0x4;
	v13 =	vadd.f32 v13, v12  }
0x107: {  	s23 =	sand.u32 $0x3FFFFFF0, s23  }
0x108: {  	[tilespmem:s23+$0xE490] =	vst v13  }
0x109: {  	s21 =	sadd.s32 $0x1, s21  }
0x10a: {  	p0 =	sne.s32 s21, s8  }
.Ltmp3:
0x10b: {  	_ = 	snop;
	(pc) =	sbr.rel @p0 .LBB2_1-.Ltmp3, $4  }
0x10c: {  	[hbm4b:s7+s2] =	stream.linear.scatter [tilespmem:s20], [sflag:$0x3], $0x800, $0x38;
	[tilespmem:$0xEC90] =	vst v63  }
0x10d: {  	_ =	swait.ge [sflag:s9], $0x800  }
0x10e: {  	[sflag:s9] =	ssyncset.done $0x0  }
0x10f: {  	[sflag:s9] =	ssyncadd.s32 $0xFFFFF800  }
0x110: {  	_ =	sfence.sel $0x180000  }
0x111: {  	[bflag:$0x0] =	sbarrier.arrive $0xFFFF  }
0x112: {  	p0 =	sne.s32 s0, $0x0;
	_ =	strace $0x90000047  }
0x113: {  	s0 =	sadd.s32 @!p0 $0x100000, s3;
	[bflag:$0x2] =	sbarrier.arrive $0xFFFF  }
0x114: {  	[sflag:s0] =	ssyncadd.tile.s32 @!p0 $0x1;
	_ =	shalt  }
.Lfunc_end2:
_tile_overlayer_lowered:
.L_overlay_start_2:
0x115: {  	(tag) =	ssettag $0x2  }
0x116: {  	s0 =	rddreg [dreg:$0x0];
	s2 =	stileid.u32  }
0x117: {  	s1 =	rddreg [dreg:$0x1];
	p0 =	sne.s32 s2, $0x0  }
0x118: {  	s3 =	rddreg [dreg:$0x2];
	[bflag:$0x3] =	sbarrier.arrive $0xFFFF;
	s2 =	simm.s32 @!p0 $0x1C03  }
0x119: {  	[timem:s3], [sflag:s2] =	dma.local @!p0 [hbm:s0], s1  }
0x11a: {  	s0 =	simm.s32 @!p0 $0x3  }
0x11b: {  	_ =	swait.ge @!p0 [sflag:s0], s1  }
0x11c: {  	s1 =	ssub.s32 @!p0 $0x0, s1;
	[sflag:s0] =	ssyncset.done @!p0 $0x0  }
0x11d: {  	[sflag:s0] =	ssyncadd.s32 @!p0 s1  }
0x11e: {  	[bflag:$0x3] =	sbarrier.arrive $0xFFFF  }
0x11f: {  	_ =	shalt  }

</sc_bundles>
